<compile_context>
chip_gen: v7x
topology: tpu7x:2x2x1
jax: 0.10.2.dev20260603
libtpu: 0.0.44.dev20260713+nightly
codegen_flags: <defaults>
</compile_context>

<pallas_src>
import functools

import jax
import jax.numpy as jnp
from jax import lax
from jax.experimental import pallas as pl
from jax.experimental.pallas import tpu as pltpu
from jax.experimental.pallas import tpu_sc as plsc

D = 128
B = 16384
NC = 2
NS = 16
NW = NC * NS
BPW = B // NW
CH = 128
NCH = BPW // CH
LANES = 16
NBUF = 3


def _elu_plus1_rows(ref, p):

    @plsc.parallel_loop(0, CH, unroll=2)
    def _row(r):
        for j in range(D // LANES):
            c = j * LANES
            x = ref[p, r, c:c + LANES]
            ref[p, r, c:c + LANES] = jnp.where(x > 0.0, x + 1.0, jnp.exp(x))


def _make_kernel():
    mesh = plsc.VectorSubcoreMesh(core_axis_name="c", subcore_axis_name="s")

    @functools.partial(
        pl.kernel,
        mesh=mesh,
        out_type=jax.ShapeDtypeStruct((B, 2 * D), jnp.float32),
        scratch_types=[
            pltpu.VMEM((NCH, CH), jnp.int32),
            pltpu.VMEM((NBUF, CH, D), jnp.float32),
            pltpu.VMEM((NBUF, CH, D), jnp.float32),
            pltpu.SemaphoreType.DMA,
            pltpu.SemaphoreType.DMA,
            pltpu.SemaphoreType.DMA,
            pltpu.SemaphoreType.DMA,
            pltpu.SemaphoreType.DMA,
            pltpu.SemaphoreType.DMA,
        ],
    )
    def k(idx_hbm, mu_hbm, sg_hbm, out_hbm, idx_v, mu_b, sg_b,
          gs0, gs1, gs2, ws0, ws1, ws2):
        gsem = (gs0, gs1, gs2)
        wsem = (ws0, ws1, ws2)
        wid = lax.axis_index("s") * NC + lax.axis_index("c")
        base = wid * BPW

        pltpu.sync_copy(idx_hbm.at[wid], idx_v)

        def fire_gathers(c):
            p = c % NBUF
            hm = pltpu.async_copy(mu_hbm.at[idx_v.at[c]], mu_b.at[p], gsem[p])
            hs = pltpu.async_copy(sg_hbm.at[idx_v.at[c]], sg_b.at[p], gsem[p])
            return hm, hs

        g = [None] * NCH
        w = [None] * NCH

        g[0] = fire_gathers(0)
        g[1] = fire_gathers(1)

        for c in range(NCH):
            p = c % NBUF
            if c + 2 < NCH:
                if c >= 1:
                    w[c - 1][0].wait()
                    w[c - 1][1].wait()
                g[c + 2] = fire_gathers(c + 2)
            row0 = base + c * CH
            g[c][0].wait()
            wm = pltpu.async_copy(
                mu_b.at[p], out_hbm.at[pl.ds(row0, CH), pl.ds(0, D)],
                wsem[p])
            g[c][1].wait()
            _elu_plus1_rows(sg_b, p)
            ws = pltpu.async_copy(
                sg_b.at[p], out_hbm.at[pl.ds(row0, CH), pl.ds(D, D)],
                wsem[p])
            w[c] = (wm, ws)

        for c in range(max(0, NCH - NBUF), NCH):
            w[c][0].wait()
            w[c][1].wait()

    return k


_sc_kernel = _make_kernel()


def kernel(idx, mu_weight, sigma_weight):
    idx3 = idx.astype(jnp.int32).reshape(NW, NCH, CH)
    return _sc_kernel(idx3, mu_weight, sigma_weight)

# --- scband reference (transcript-rebuilt; emitter-appended) ---
"""Pipeline reference for scband-gaussian-embedding-45578192945439 (READ-ONLY COPY).

The authoritative reference and input builder live on the scoring server;
editing this copy changes nothing except your own understanding.
"""

import jax, jax.numpy as jnp
import numpy as np

NUM_LATENT = 128
N_EMB = 100000
BATCH = 16384


def setup_inputs(seed: int = 0) -> dict:
    key = jax.random.key(seed)
    k_idx, k_mu, k_sigma = jax.random.split(key, 3)
    idx = jax.random.randint(k_idx, (BATCH,), 0, N_EMB, dtype=jnp.int64 if jax.config.jax_enable_x64 else jnp.int32)
    mu_weight = jax.random.normal(k_mu, (N_EMB, NUM_LATENT), dtype=jnp.float32)
    sigma_weight = jax.random.normal(k_sigma, (N_EMB, NUM_LATENT), dtype=jnp.float32)
    return {"idx": idx, "mu_weight": mu_weight, "sigma_weight": sigma_weight}


def reference(idx, mu_weight, sigma_weight):
    mu = jnp.take(mu_weight, idx, axis=0)
    sigma = jnp.take(sigma_weight, idx, axis=0)
    return jnp.hstack((mu, jax.nn.elu(sigma) + 1.0))

if __name__ == "__main__":
    import jax
    _d = setup_inputs()
    print(jax.jit(kernel)(*tuple(_d.values())))

</pallas_src>

<mosaic_0001>
#map = affine_map<(d0, d1) -> (0, 0, 0)>
#map1 = affine_map<(d0, d1) -> (0, 0)>
module attributes {stable_mosaic.version = 14 : i64} {
  func.func @k(%arg0: i32, %arg1: i32, %arg2: memref<32x4x128xi32, #tpu.memory_space<hbm>>, %arg3: memref<100000x128xf32, #tpu.memory_space<hbm>>, %arg4: memref<100000x128xf32, #tpu.memory_space<hbm>>, %arg5: memref<16384x256xf32, #tpu.memory_space<hbm>>, %arg6: memref<4x128xi32, #tpu.memory_space<vmem>>, %arg7: memref<3x128x128xf32, #tpu.memory_space<vmem>>, %arg8: memref<3x128x128xf32, #tpu.memory_space<vmem>>, %arg9: memref<!tpu.dma_semaphore, #tpu.memory_space<semaphore_mem>>, %arg10: memref<!tpu.dma_semaphore, #tpu.memory_space<semaphore_mem>>, %arg11: memref<!tpu.dma_semaphore, #tpu.memory_space<semaphore_mem>>, %arg12: memref<!tpu.dma_semaphore, #tpu.memory_space<semaphore_mem>>, %arg13: memref<!tpu.dma_semaphore, #tpu.memory_space<semaphore_mem>>, %arg14: memref<!tpu.dma_semaphore, #tpu.memory_space<semaphore_mem>>) attributes {dimension_semantics = [#tpu.dimension_semantics<core_parallel>, #tpu.dimension_semantics<subcore_parallel>], iteration_bounds = array<i64: 2, 16>, scalar_prefetch = 0 : i64, scratch_operands = 9 : i64, tpu.core_type = #tpu.core_type<sc_vector_subcore>, window_params = [{transform_indices = #map}, {transform_indices = #map1}, {transform_indices = #map1}, {transform_indices = #map1}]} {
    %mul3A = arith.constant 2 : i32
    %mul3A_0 = arith.muli %arg1, %mul3A : i32
    %add3A = arith.addi %mul3A_0, %arg0 : i32
    %mul3A_1 = arith.constant 512 : i32
    %mul3A_2 = arith.muli %add3A, %mul3A_1 : i32
    "tpu.region"() ({
      %run_scoped3A = tpu.sem_alloc : memref<!tpu.dma_semaphore, #tpu.memory_space<semaphore_mem>>
      %dma_start3A_420 = arith.constant 0 : i32
      %dma_start3A_421 = arith.constant 0 : i32
      %dma_start3A_422 = tpu.memref_slice %arg2[%add3A, %dma_start3A_420, %dma_start3A_421] : memref<32x4x128xi32, #tpu.memory_space<hbm>> -> memref<1x4x128xi32, #tpu.memory_space<hbm>>
      %dma_start3A_423 = tpu.memref_squeeze %dma_start3A_422 : memref<1x4x128xi32, #tpu.memory_space<hbm>> -> memref<4x128xi32, #tpu.memory_space<hbm>>
      %dma_start3A_424 = arith.constant 0 : i32
      %dma_start3A_425 = arith.constant 0 : i32
      %dma_start3A_426 = tpu.memref_slice %arg2[%add3A, %dma_start3A_424, %dma_start3A_425] : memref<32x4x128xi32, #tpu.memory_space<hbm>> -> memref<1x4x128xi32, #tpu.memory_space<hbm>>
      %dma_start3A_427 = tpu.memref_squeeze %dma_start3A_426 : memref<1x4x128xi32, #tpu.memory_space<hbm>> -> memref<4x128xi32, #tpu.memory_space<hbm>>
      tpu.enqueue_dma source(%dma_start3A_427 : memref<4x128xi32, #tpu.memory_space<hbm>>) target(%arg6 : memref<4x128xi32, #tpu.memory_space<vmem>>) target_semaphore(%run_scoped3A : memref<!tpu.dma_semaphore, #tpu.memory_space<semaphore_mem>>)
      %dma_wait3A_428 = arith.constant 0 : i32
      %dma_wait3A_429 = arith.constant 0 : i32
      %dma_wait3A_430 = tpu.memref_slice %arg2[%add3A, %dma_wait3A_428, %dma_wait3A_429] : memref<32x4x128xi32, #tpu.memory_space<hbm>> -> memref<1x4x128xi32, #tpu.memory_space<hbm>>
      %dma_wait3A_431 = tpu.memref_squeeze %dma_wait3A_430 : memref<1x4x128xi32, #tpu.memory_space<hbm>> -> memref<4x128xi32, #tpu.memory_space<hbm>>
      %dma_wait3A_432 = arith.constant 0 : i32
      %dma_wait3A_433 = arith.constant 0 : i32
      %dma_wait3A_434 = tpu.memref_slice %arg2[%add3A, %dma_wait3A_432, %dma_wait3A_433] : memref<32x4x128xi32, #tpu.memory_space<hbm>> -> memref<1x4x128xi32, #tpu.memory_space<hbm>>
      %dma_wait3A_435 = tpu.memref_squeeze %dma_wait3A_434 : memref<1x4x128xi32, #tpu.memory_space<hbm>> -> memref<4x128xi32, #tpu.memory_space<hbm>>
      tpu.wait_dma2 semaphore(%run_scoped3A : memref<!tpu.dma_semaphore, #tpu.memory_space<semaphore_mem>>) src(%dma_wait3A_435 : memref<4x128xi32, #tpu.memory_space<hbm>>) dst(%arg6 : memref<4x128xi32, #tpu.memory_space<vmem>>)
      tpu.yield
    }) : () -> ()
    %dma_start3A = arith.constant 0 : i32
    %dma_start3A_3 = arith.constant 0 : i32
    %dma_start3A_4 = arith.constant 0 : i32
    %dma_start3A_5 = arith.constant 0 : i32
    %dma_start3A_6 = tpu.memref_slice %arg7[%dma_start3A_3, %dma_start3A_4, %dma_start3A_5] : memref<3x128x128xf32, #tpu.memory_space<vmem>> -> memref<1x128x128xf32, #tpu.memory_space<vmem>>
    %dma_start3A_7 = tpu.memref_squeeze %dma_start3A_6 : memref<1x128x128xf32, #tpu.memory_space<vmem>> -> memref<128x128xf32, #tpu.memory_space<vmem>>
    %dma_start3A_8 = arith.constant 0 : i32
    %dma_start3A_9 = tpu.memref_slice %arg6[%dma_start3A, %dma_start3A_8] : memref<4x128xi32, #tpu.memory_space<vmem>> -> memref<1x128xi32, #tpu.memory_space<vmem>>
    %dma_start3A_10 = tpu.memref_squeeze %dma_start3A_9 : memref<1x128xi32, #tpu.memory_space<vmem>> -> memref<128xi32, #tpu.memory_space<vmem>>
    %dma_start3A_11 = arith.constant 0 : i32
    %dma_start3A_12 = arith.constant 0 : i32
    %dma_start3A_13 = tpu.memref_slice %arg3[%dma_start3A_11, %dma_start3A_12] : memref<100000x128xf32, #tpu.memory_space<hbm>> -> memref<100000x128xf32, #tpu.memory_space<hbm>>
    tpu.enqueue_indirect_dma source(%dma_start3A_13 : memref<100000x128xf32, #tpu.memory_space<hbm>>) target(%dma_start3A_7 : memref<128x128xf32, #tpu.memory_space<vmem>>) offsets(%dma_start3A_10 : memref<128xi32, #tpu.memory_space<vmem>>) semaphore(%arg9 : memref<!tpu.dma_semaphore, #tpu.memory_space<semaphore_mem>>)
    %dma_start3A_14 = arith.constant 0 : i32
    %dma_start3A_15 = arith.constant 0 : i32
    %dma_start3A_16 = arith.constant 0 : i32
    %dma_start3A_17 = arith.constant 0 : i32
    %dma_start3A_18 = tpu.memref_slice %arg8[%dma_start3A_15, %dma_start3A_16, %dma_start3A_17] : memref<3x128x128xf32, #tpu.memory_space<vmem>> -> memref<1x128x128xf32, #tpu.memory_space<vmem>>
    %dma_start3A_19 = tpu.memref_squeeze %dma_start3A_18 : memref<1x128x128xf32, #tpu.memory_space<vmem>> -> memref<128x128xf32, #tpu.memory_space<vmem>>
    %dma_start3A_20 = arith.constant 0 : i32
    %dma_start3A_21 = tpu.memref_slice %arg6[%dma_start3A_14, %dma_start3A_20] : memref<4x128xi32, #tpu.memory_space<vmem>> -> memref<1x128xi32, #tpu.memory_space<vmem>>
    %dma_start3A_22 = tpu.memref_squeeze %dma_start3A_21 : memref<1x128xi32, #tpu.memory_space<vmem>> -> memref<128xi32, #tpu.memory_space<vmem>>
    %dma_start3A_23 = arith.constant 0 : i32
    %dma_start3A_24 = arith.constant 0 : i32
    %dma_start3A_25 = tpu.memref_slice %arg4[%dma_start3A_23, %dma_start3A_24] : memref<100000x128xf32, #tpu.memory_space<hbm>> -> memref<100000x128xf32, #tpu.memory_space<hbm>>
    tpu.enqueue_indirect_dma source(%dma_start3A_25 : memref<100000x128xf32, #tpu.memory_space<hbm>>) target(%dma_start3A_19 : memref<128x128xf32, #tpu.memory_space<vmem>>) offsets(%dma_start3A_22 : memref<128xi32, #tpu.memory_space<vmem>>) semaphore(%arg9 : memref<!tpu.dma_semaphore, #tpu.memory_space<semaphore_mem>>)
    %dma_start3A_26 = arith.constant 1 : i32
    %dma_start3A_27 = arith.constant 1 : i32
    %dma_start3A_28 = arith.constant 0 : i32
    %dma_start3A_29 = arith.constant 0 : i32
    %dma_start3A_30 = tpu.memref_slice %arg7[%dma_start3A_27, %dma_start3A_28, %dma_start3A_29] : memref<3x128x128xf32, #tpu.memory_space<vmem>> -> memref<1x128x128xf32, #tpu.memory_space<vmem>>
    %dma_start3A_31 = tpu.memref_squeeze %dma_start3A_30 : memref<1x128x128xf32, #tpu.memory_space<vmem>> -> memref<128x128xf32, #tpu.memory_space<vmem>>
    %dma_start3A_32 = arith.constant 0 : i32
    %dma_start3A_33 = tpu.memref_slice %arg6[%dma_start3A_26, %dma_start3A_32] : memref<4x128xi32, #tpu.memory_space<vmem>> -> memref<1x128xi32, #tpu.memory_space<vmem>>
    %dma_start3A_34 = tpu.memref_squeeze %dma_start3A_33 : memref<1x128xi32, #tpu.memory_space<vmem>> -> memref<128xi32, #tpu.memory_space<vmem>>
    %dma_start3A_35 = arith.constant 0 : i32
    %dma_start3A_36 = arith.constant 0 : i32
    %dma_start3A_37 = tpu.memref_slice %arg3[%dma_start3A_35, %dma_start3A_36] : memref<100000x128xf32, #tpu.memory_space<hbm>> -> memref<100000x128xf32, #tpu.memory_space<hbm>>
    tpu.enqueue_indirect_dma source(%dma_start3A_37 : memref<100000x128xf32, #tpu.memory_space<hbm>>) target(%dma_start3A_31 : memref<128x128xf32, #tpu.memory_space<vmem>>) offsets(%dma_start3A_34 : memref<128xi32, #tpu.memory_space<vmem>>) semaphore(%arg10 : memref<!tpu.dma_semaphore, #tpu.memory_space<semaphore_mem>>)
    %dma_start3A_38 = arith.constant 1 : i32
    %dma_start3A_39 = arith.constant 1 : i32
    %dma_start3A_40 = arith.constant 0 : i32
    %dma_start3A_41 = arith.constant 0 : i32
    %dma_start3A_42 = tpu.memref_slice %arg8[%dma_start3A_39, %dma_start3A_40, %dma_start3A_41] : memref<3x128x128xf32, #tpu.memory_space<vmem>> -> memref<1x128x128xf32, #tpu.memory_space<vmem>>
    %dma_start3A_43 = tpu.memref_squeeze %dma_start3A_42 : memref<1x128x128xf32, #tpu.memory_space<vmem>> -> memref<128x128xf32, #tpu.memory_space<vmem>>
    %dma_start3A_44 = arith.constant 0 : i32
    %dma_start3A_45 = tpu.memref_slice %arg6[%dma_start3A_38, %dma_start3A_44] : memref<4x128xi32, #tpu.memory_space<vmem>> -> memref<1x128xi32, #tpu.memory_space<vmem>>
    %dma_start3A_46 = tpu.memref_squeeze %dma_start3A_45 : memref<1x128xi32, #tpu.memory_space<vmem>> -> memref<128xi32, #tpu.memory_space<vmem>>
    %dma_start3A_47 = arith.constant 0 : i32
    %dma_start3A_48 = arith.constant 0 : i32
    %dma_start3A_49 = tpu.memref_slice %arg4[%dma_start3A_47, %dma_start3A_48] : memref<100000x128xf32, #tpu.memory_space<hbm>> -> memref<100000x128xf32, #tpu.memory_space<hbm>>
    tpu.enqueue_indirect_dma source(%dma_start3A_49 : memref<100000x128xf32, #tpu.memory_space<hbm>>) target(%dma_start3A_43 : memref<128x128xf32, #tpu.memory_space<vmem>>) offsets(%dma_start3A_46 : memref<128xi32, #tpu.memory_space<vmem>>) semaphore(%arg10 : memref<!tpu.dma_semaphore, #tpu.memory_space<semaphore_mem>>)
    %dma_start3A_50 = arith.constant 2 : i32
    %dma_start3A_51 = arith.constant 2 : i32
    %dma_start3A_52 = arith.constant 0 : i32
    %dma_start3A_53 = arith.constant 0 : i32
    %dma_start3A_54 = tpu.memref_slice %arg7[%dma_start3A_51, %dma_start3A_52, %dma_start3A_53] : memref<3x128x128xf32, #tpu.memory_space<vmem>> -> memref<1x128x128xf32, #tpu.memory_space<vmem>>
    %dma_start3A_55 = tpu.memref_squeeze %dma_start3A_54 : memref<1x128x128xf32, #tpu.memory_space<vmem>> -> memref<128x128xf32, #tpu.memory_space<vmem>>
    %dma_start3A_56 = arith.constant 0 : i32
    %dma_start3A_57 = tpu.memref_slice %arg6[%dma_start3A_50, %dma_start3A_56] : memref<4x128xi32, #tpu.memory_space<vmem>> -> memref<1x128xi32, #tpu.memory_space<vmem>>
    %dma_start3A_58 = tpu.memref_squeeze %dma_start3A_57 : memref<1x128xi32, #tpu.memory_space<vmem>> -> memref<128xi32, #tpu.memory_space<vmem>>
    %dma_start3A_59 = arith.constant 0 : i32
    %dma_start3A_60 = arith.constant 0 : i32
    %dma_start3A_61 = tpu.memref_slice %arg3[%dma_start3A_59, %dma_start3A_60] : memref<100000x128xf32, #tpu.memory_space<hbm>> -> memref<100000x128xf32, #tpu.memory_space<hbm>>
    tpu.enqueue_indirect_dma source(%dma_start3A_61 : memref<100000x128xf32, #tpu.memory_space<hbm>>) target(%dma_start3A_55 : memref<128x128xf32, #tpu.memory_space<vmem>>) offsets(%dma_start3A_58 : memref<128xi32, #tpu.memory_space<vmem>>) semaphore(%arg11 : memref<!tpu.dma_semaphore, #tpu.memory_space<semaphore_mem>>)
    %dma_start3A_62 = arith.constant 2 : i32
    %dma_start3A_63 = arith.constant 2 : i32
    %dma_start3A_64 = arith.constant 0 : i32
    %dma_start3A_65 = arith.constant 0 : i32
    %dma_start3A_66 = tpu.memref_slice %arg8[%dma_start3A_63, %dma_start3A_64, %dma_start3A_65] : memref<3x128x128xf32, #tpu.memory_space<vmem>> -> memref<1x128x128xf32, #tpu.memory_space<vmem>>
    %dma_start3A_67 = tpu.memref_squeeze %dma_start3A_66 : memref<1x128x128xf32, #tpu.memory_space<vmem>> -> memref<128x128xf32, #tpu.memory_space<vmem>>
    %dma_start3A_68 = arith.constant 0 : i32
    %dma_start3A_69 = tpu.memref_slice %arg6[%dma_start3A_62, %dma_start3A_68] : memref<4x128xi32, #tpu.memory_space<vmem>> -> memref<1x128xi32, #tpu.memory_space<vmem>>
    %dma_start3A_70 = tpu.memref_squeeze %dma_start3A_69 : memref<1x128xi32, #tpu.memory_space<vmem>> -> memref<128xi32, #tpu.memory_space<vmem>>
    %dma_start3A_71 = arith.constant 0 : i32
    %dma_start3A_72 = arith.constant 0 : i32
    %dma_start3A_73 = tpu.memref_slice %arg4[%dma_start3A_71, %dma_start3A_72] : memref<100000x128xf32, #tpu.memory_space<hbm>> -> memref<100000x128xf32, #tpu.memory_space<hbm>>
    tpu.enqueue_indirect_dma source(%dma_start3A_73 : memref<100000x128xf32, #tpu.memory_space<hbm>>) target(%dma_start3A_67 : memref<128x128xf32, #tpu.memory_space<vmem>>) offsets(%dma_start3A_70 : memref<128xi32, #tpu.memory_space<vmem>>) semaphore(%arg11 : memref<!tpu.dma_semaphore, #tpu.memory_space<semaphore_mem>>)
    %add3A_74 = arith.constant 0 : i32
    %add3A_75 = arith.addi %mul3A_2, %add3A_74 : i32
    %dma_wait3A = arith.constant 0 : i32
    %dma_wait3A_76 = arith.constant 0 : i32
    %dma_wait3A_77 = arith.constant 0 : i32
    %dma_wait3A_78 = arith.constant 0 : i32
    %dma_wait3A_79 = tpu.memref_slice %arg7[%dma_wait3A_76, %dma_wait3A_77, %dma_wait3A_78] : memref<3x128x128xf32, #tpu.memory_space<vmem>> -> memref<1x128x128xf32, #tpu.memory_space<vmem>>
    %dma_wait3A_80 = tpu.memref_squeeze %dma_wait3A_79 : memref<1x128x128xf32, #tpu.memory_space<vmem>> -> memref<128x128xf32, #tpu.memory_space<vmem>>
    %dma_wait3A_81 = arith.constant 0 : i32
    %dma_wait3A_82 = tpu.memref_slice %arg6[%dma_wait3A, %dma_wait3A_81] : memref<4x128xi32, #tpu.memory_space<vmem>> -> memref<1x128xi32, #tpu.memory_space<vmem>>
    %dma_wait3A_83 = tpu.memref_squeeze %dma_wait3A_82 : memref<1x128xi32, #tpu.memory_space<vmem>> -> memref<128xi32, #tpu.memory_space<vmem>>
    %dma_wait3A_84 = arith.constant 0 : i32
    %dma_wait3A_85 = arith.constant 0 : i32
    %dma_wait3A_86 = tpu.memref_slice %arg3[%dma_wait3A_84, %dma_wait3A_85] : memref<100000x128xf32, #tpu.memory_space<hbm>> -> memref<100000x128xf32, #tpu.memory_space<hbm>>
    tpu.wait_indirect_dma semaphore(%arg9 : memref<!tpu.dma_semaphore, #tpu.memory_space<semaphore_mem>>) src(%dma_wait3A_86 : memref<100000x128xf32, #tpu.memory_space<hbm>>) dst(%dma_wait3A_80 : memref<128x128xf32, #tpu.memory_space<vmem>>)
    %dma_start3A_87 = arith.constant 0 : i32
    %dma_start3A_88 = arith.constant 0 : i32
    %dma_start3A_89 = arith.constant 0 : i32
    %dma_start3A_90 = tpu.memref_slice %arg7[%dma_start3A_87, %dma_start3A_88, %dma_start3A_89] : memref<3x128x128xf32, #tpu.memory_space<vmem>> -> memref<1x128x128xf32, #tpu.memory_space<vmem>>
    %dma_start3A_91 = tpu.memref_squeeze %dma_start3A_90 : memref<1x128x128xf32, #tpu.memory_space<vmem>> -> memref<128x128xf32, #tpu.memory_space<vmem>>
    %dma_start3A_92 = arith.constant 0 : i32
    %dma_start3A_93 = tpu.memref_slice %arg5[%add3A_75, %dma_start3A_92] : memref<16384x256xf32, #tpu.memory_space<hbm>> -> memref<128x128xf32, #tpu.memory_space<hbm>>
    %dma_start3A_94 = arith.constant 0 : i32
    %dma_start3A_95 = tpu.memref_slice %arg5[%add3A_75, %dma_start3A_94] : memref<16384x256xf32, #tpu.memory_space<hbm>> -> memref<128x128xf32, #tpu.memory_space<hbm>>
    %dma_start3A_96 = arith.constant 0 : i32
    %dma_start3A_97 = arith.constant 0 : i32
    %dma_start3A_98 = tpu.memref_slice %arg7[%dma_start3A_87, %dma_start3A_96, %dma_start3A_97] : memref<3x128x128xf32, #tpu.memory_space<vmem>> -> memref<1x128x128xf32, #tpu.memory_space<vmem>>
    %dma_start3A_99 = tpu.memref_squeeze %dma_start3A_98 : memref<1x128x128xf32, #tpu.memory_space<vmem>> -> memref<128x128xf32, #tpu.memory_space<vmem>>
    tpu.enqueue_dma source(%dma_start3A_99 : memref<128x128xf32, #tpu.memory_space<vmem>>) target(%dma_start3A_95 : memref<128x128xf32, #tpu.memory_space<hbm>>) target_semaphore(%arg12 : memref<!tpu.dma_semaphore, #tpu.memory_space<semaphore_mem>>)
    %dma_wait3A_100 = arith.constant 0 : i32
    %dma_wait3A_101 = arith.constant 0 : i32
    %dma_wait3A_102 = arith.constant 0 : i32
    %dma_wait3A_103 = arith.constant 0 : i32
    %dma_wait3A_104 = tpu.memref_slice %arg8[%dma_wait3A_101, %dma_wait3A_102, %dma_wait3A_103] : memref<3x128x128xf32, #tpu.memory_space<vmem>> -> memref<1x128x128xf32, #tpu.memory_space<vmem>>
    %dma_wait3A_105 = tpu.memref_squeeze %dma_wait3A_104 : memref<1x128x128xf32, #tpu.memory_space<vmem>> -> memref<128x128xf32, #tpu.memory_space<vmem>>
    %dma_wait3A_106 = arith.constant 0 : i32
    %dma_wait3A_107 = tpu.memref_slice %arg6[%dma_wait3A_100, %dma_wait3A_106] : memref<4x128xi32, #tpu.memory_space<vmem>> -> memref<1x128xi32, #tpu.memory_space<vmem>>
    %dma_wait3A_108 = tpu.memref_squeeze %dma_wait3A_107 : memref<1x128xi32, #tpu.memory_space<vmem>> -> memref<128xi32, #tpu.memory_space<vmem>>
    %dma_wait3A_109 = arith.constant 0 : i32
    %dma_wait3A_110 = arith.constant 0 : i32
    %dma_wait3A_111 = tpu.memref_slice %arg4[%dma_wait3A_109, %dma_wait3A_110] : memref<100000x128xf32, #tpu.memory_space<hbm>> -> memref<100000x128xf32, #tpu.memory_space<hbm>>
    tpu.wait_indirect_dma semaphore(%arg9 : memref<!tpu.dma_semaphore, #tpu.memory_space<semaphore_mem>>) src(%dma_wait3A_111 : memref<100000x128xf32, #tpu.memory_space<hbm>>) dst(%dma_wait3A_105 : memref<128x128xf32, #tpu.memory_space<vmem>>)
    %parallel_loop3A = arith.constant 0 : i32
    %parallel_loop3A_112 = arith.constant 128 : i32
    %parallel_loop3A_113 = arith.constant 1 : i32
    scf.for %parallel_loop3A_420 = %parallel_loop3A to %parallel_loop3A_112 step %parallel_loop3A_113  : i32 {
      %parallel_loop3A_421 = arith.constant 0 : i32
      %parallel_loop3A_422 = arith.index_cast %parallel_loop3A_421 : i32 to index
      %parallel_loop3A_423 = arith.index_cast %parallel_loop3A_420 : i32 to index
      %parallel_loop3A_424 = arith.constant 0 : index
      %parallel_loop3A_425 = tpu.vector_load %arg8[%parallel_loop3A_422, %parallel_loop3A_423, %parallel_loop3A_424] {strides = array<i32>} : memref<3x128x128xf32, #tpu.memory_space<vmem>>, vector<1x1x16xf32>,
      %parallel_loop3A_426 = vector.shape_cast %parallel_loop3A_425 : vector<1x1x16xf32> to vector<16xf32>
      %parallel_loop3A_427 = arith.constant 0.000000e+00 : f32
      %parallel_loop3A_428 = vector.broadcast %parallel_loop3A_427 : f32 to vector<16xf32>
      %parallel_loop3A_429 = arith.cmpf ogt, %parallel_loop3A_426, %parallel_loop3A_428 : vector<16xf32>
      %parallel_loop3A_430 = arith.constant 1.000000e+00 : f32
      %parallel_loop3A_431 = vector.broadcast %parallel_loop3A_430 : f32 to vector<16xf32>
      %parallel_loop3A_432 = arith.addf %parallel_loop3A_426, %parallel_loop3A_431 : vector<16xf32>
      %parallel_loop3A_433 = math.exp %parallel_loop3A_426 : vector<16xf32>
      %parallel_loop3A_434 = arith.select %parallel_loop3A_429, %parallel_loop3A_432, %parallel_loop3A_433 : vector<16xi1>, vector<16xf32>
      %parallel_loop3A_435 = arith.constant 0 : i32
      %parallel_loop3A_436 = arith.index_cast %parallel_loop3A_435 : i32 to index
      %parallel_loop3A_437 = arith.index_cast %parallel_loop3A_420 : i32 to index
      %parallel_loop3A_438 = arith.constant 0 : index
      %parallel_loop3A_439 = tpu.vector_load %arg8[%parallel_loop3A_436, %parallel_loop3A_437, %parallel_loop3A_438] {strides = array<i32>} : memref<3x128x128xf32, #tpu.memory_space<vmem>>, vector<1x1x16xf32>,
      %parallel_loop3A_440 = vector.shape_cast %parallel_loop3A_439 : vector<1x1x16xf32> to vector<16xf32>
      %parallel_loop3A_441 = vector.shape_cast %parallel_loop3A_434 : vector<16xf32> to vector<1x1x16xf32>
      tpu.vector_store %arg8[%parallel_loop3A_436, %parallel_loop3A_437, %parallel_loop3A_438], %parallel_loop3A_441 {strides = array<i32>} : memref<3x128x128xf32, #tpu.memory_space<vmem>>, vector<1x1x16xf32>,
      %parallel_loop3A_442 = arith.constant 0 : i32
      %parallel_loop3A_443 = arith.index_cast %parallel_loop3A_442 : i32 to index
      %parallel_loop3A_444 = arith.index_cast %parallel_loop3A_420 : i32 to index
      %parallel_loop3A_445 = arith.constant 16 : index
      %parallel_loop3A_446 = tpu.vector_load %arg8[%parallel_loop3A_443, %parallel_loop3A_444, %parallel_loop3A_445] {strides = array<i32>} : memref<3x128x128xf32, #tpu.memory_space<vmem>>, vector<1x1x16xf32>,
      %parallel_loop3A_447 = vector.shape_cast %parallel_loop3A_446 : vector<1x1x16xf32> to vector<16xf32>
      %parallel_loop3A_448 = arith.constant 0.000000e+00 : f32
      %parallel_loop3A_449 = vector.broadcast %parallel_loop3A_448 : f32 to vector<16xf32>
      %parallel_loop3A_450 = arith.cmpf ogt, %parallel_loop3A_447, %parallel_loop3A_449 : vector<16xf32>
      %parallel_loop3A_451 = arith.constant 1.000000e+00 : f32
      %parallel_loop3A_452 = vector.broadcast %parallel_loop3A_451 : f32 to vector<16xf32>
      %parallel_loop3A_453 = arith.addf %parallel_loop3A_447, %parallel_loop3A_452 : vector<16xf32>
      %parallel_loop3A_454 = math.exp %parallel_loop3A_447 : vector<16xf32>
      %parallel_loop3A_455 = arith.select %parallel_loop3A_450, %parallel_loop3A_453, %parallel_loop3A_454 : vector<16xi1>, vector<16xf32>
      %parallel_loop3A_456 = arith.constant 0 : i32
      %parallel_loop3A_457 = arith.index_cast %parallel_loop3A_456 : i32 to index
      %parallel_loop3A_458 = arith.index_cast %parallel_loop3A_420 : i32 to index
      %parallel_loop3A_459 = arith.constant 16 : index
      %parallel_loop3A_460 = tpu.vector_load %arg8[%parallel_loop3A_457, %parallel_loop3A_458, %parallel_loop3A_459] {strides = array<i32>} : memref<3x128x128xf32, #tpu.memory_space<vmem>>, vector<1x1x16xf32>,
      %parallel_loop3A_461 = vector.shape_cast %parallel_loop3A_460 : vector<1x1x16xf32> to vector<16xf32>
      %parallel_loop3A_462 = vector.shape_cast %parallel_loop3A_455 : vector<16xf32> to vector<1x1x16xf32>
      tpu.vector_store %arg8[%parallel_loop3A_457, %parallel_loop3A_458, %parallel_loop3A_459], %parallel_loop3A_462 {strides = array<i32>} : memref<3x128x128xf32, #tpu.memory_space<vmem>>, vector<1x1x16xf32>,
      %parallel_loop3A_463 = arith.constant 0 : i32
      %parallel_loop3A_464 = arith.index_cast %parallel_loop3A_463 : i32 to index
      %parallel_loop3A_465 = arith.index_cast %parallel_loop3A_420 : i32 to index
      %parallel_loop3A_466 = arith.constant 32 : index
      %parallel_loop3A_467 = tpu.vector_load %arg8[%parallel_loop3A_464, %parallel_loop3A_465, %parallel_loop3A_466] {strides = array<i32>} : memref<3x128x128xf32, #tpu.memory_space<vmem>>, vector<1x1x16xf32>,
      %parallel_loop3A_468 = vector.shape_cast %parallel_loop3A_467 : vector<1x1x16xf32> to vector<16xf32>
      %parallel_loop3A_469 = arith.constant 0.000000e+00 : f32
      %parallel_loop3A_470 = vector.broadcast %parallel_loop3A_469 : f32 to vector<16xf32>
      %parallel_loop3A_471 = arith.cmpf ogt, %parallel_loop3A_468, %parallel_loop3A_470 : vector<16xf32>
      %parallel_loop3A_472 = arith.constant 1.000000e+00 : f32
      %parallel_loop3A_473 = vector.broadcast %parallel_loop3A_472 : f32 to vector<16xf32>
      %parallel_loop3A_474 = arith.addf %parallel_loop3A_468, %parallel_loop3A_473 : vector<16xf32>
      %parallel_loop3A_475 = math.exp %parallel_loop3A_468 : vector<16xf32>
      %parallel_loop3A_476 = arith.select %parallel_loop3A_471, %parallel_loop3A_474, %parallel_loop3A_475 : vector<16xi1>, vector<16xf32>
      %parallel_loop3A_477 = arith.constant 0 : i32
      %parallel_loop3A_478 = arith.index_cast %parallel_loop3A_477 : i32 to index
      %parallel_loop3A_479 = arith.index_cast %parallel_loop3A_420 : i32 to index
      %parallel_loop3A_480 = arith.constant 32 : index
      %parallel_loop3A_481 = tpu.vector_load %arg8[%parallel_loop3A_478, %parallel_loop3A_479, %parallel_loop3A_480] {strides = array<i32>} : memref<3x128x128xf32, #tpu.memory_space<vmem>>, vector<1x1x16xf32>,
      %parallel_loop3A_482 = vector.shape_cast %parallel_loop3A_481 : vector<1x1x16xf32> to vector<16xf32>
      %parallel_loop3A_483 = vector.shape_cast %parallel_loop3A_476 : vector<16xf32> to vector<1x1x16xf32>
      tpu.vector_store %arg8[%parallel_loop3A_478, %parallel_loop3A_479, %parallel_loop3A_480], %parallel_loop3A_483 {strides = array<i32>} : memref<3x128x128xf32, #tpu.memory_space<vmem>>, vector<1x1x16xf32>,
      %parallel_loop3A_484 = arith.constant 0 : i32
      %parallel_loop3A_485 = arith.index_cast %parallel_loop3A_484 : i32 to index
      %parallel_loop3A_486 = arith.index_cast %parallel_loop3A_420 : i32 to index
      %parallel_loop3A_487 = arith.constant 48 : index
      %parallel_loop3A_488 = tpu.vector_load %arg8[%parallel_loop3A_485, %parallel_loop3A_486, %parallel_loop3A_487] {strides = array<i32>} : memref<3x128x128xf32, #tpu.memory_space<vmem>>, vector<1x1x16xf32>,
      %parallel_loop3A_489 = vector.shape_cast %parallel_loop3A_488 : vector<1x1x16xf32> to vector<16xf32>
      %parallel_loop3A_490 = arith.constant 0.000000e+00 : f32
      %parallel_loop3A_491 = vector.broadcast %parallel_loop3A_490 : f32 to vector<16xf32>
      %parallel_loop3A_492 = arith.cmpf ogt, %parallel_loop3A_489, %parallel_loop3A_491 : vector<16xf32>
      %parallel_loop3A_493 = arith.constant 1.000000e+00 : f32
      %parallel_loop3A_494 = vector.broadcast %parallel_loop3A_493 : f32 to vector<16xf32>
      %parallel_loop3A_495 = arith.addf %parallel_loop3A_489, %parallel_loop3A_494 : vector<16xf32>
      %parallel_loop3A_496 = math.exp %parallel_loop3A_489 : vector<16xf32>
      %parallel_loop3A_497 = arith.select %parallel_loop3A_492, %parallel_loop3A_495, %parallel_loop3A_496 : vector<16xi1>, vector<16xf32>
      %parallel_loop3A_498 = arith.constant 0 : i32
      %parallel_loop3A_499 = arith.index_cast %parallel_loop3A_498 : i32 to index
      %parallel_loop3A_500 = arith.index_cast %parallel_loop3A_420 : i32 to index
      %parallel_loop3A_501 = arith.constant 48 : index
      %parallel_loop3A_502 = tpu.vector_load %arg8[%parallel_loop3A_499, %parallel_loop3A_500, %parallel_loop3A_501] {strides = array<i32>} : memref<3x128x128xf32, #tpu.memory_space<vmem>>, vector<1x1x16xf32>,
      %parallel_loop3A_503 = vector.shape_cast %parallel_loop3A_502 : vector<1x1x16xf32> to vector<16xf32>
      %parallel_loop3A_504 = vector.shape_cast %parallel_loop3A_497 : vector<16xf32> to vector<1x1x16xf32>
      tpu.vector_store %arg8[%parallel_loop3A_499, %parallel_loop3A_500, %parallel_loop3A_501], %parallel_loop3A_504 {strides = array<i32>} : memref<3x128x128xf32, #tpu.memory_space<vmem>>, vector<1x1x16xf32>,
      %parallel_loop3A_505 = arith.constant 0 : i32
      %parallel_loop3A_506 = arith.index_cast %parallel_loop3A_505 : i32 to index
      %parallel_loop3A_507 = arith.index_cast %parallel_loop3A_420 : i32 to index
      %parallel_loop3A_508 = arith.constant 64 : index
      %parallel_loop3A_509 = tpu.vector_load %arg8[%parallel_loop3A_506, %parallel_loop3A_507, %parallel_loop3A_508] {strides = array<i32>} : memref<3x128x128xf32, #tpu.memory_space<vmem>>, vector<1x1x16xf32>,
      %parallel_loop3A_510 = vector.shape_cast %parallel_loop3A_509 : vector<1x1x16xf32> to vector<16xf32>
      %parallel_loop3A_511 = arith.constant 0.000000e+00 : f32
      %parallel_loop3A_512 = vector.broadcast %parallel_loop3A_511 : f32 to vector<16xf32>
      %parallel_loop3A_513 = arith.cmpf ogt, %parallel_loop3A_510, %parallel_loop3A_512 : vector<16xf32>
      %parallel_loop3A_514 = arith.constant 1.000000e+00 : f32
      %parallel_loop3A_515 = vector.broadcast %parallel_loop3A_514 : f32 to vector<16xf32>
      %parallel_loop3A_516 = arith.addf %parallel_loop3A_510, %parallel_loop3A_515 : vector<16xf32>
      %parallel_loop3A_517 = math.exp %parallel_loop3A_510 : vector<16xf32>
      %parallel_loop3A_518 = arith.select %parallel_loop3A_513, %parallel_loop3A_516, %parallel_loop3A_517 : vector<16xi1>, vector<16xf32>
      %parallel_loop3A_519 = arith.constant 0 : i32
      %parallel_loop3A_520 = arith.index_cast %parallel_loop3A_519 : i32 to index
      %parallel_loop3A_521 = arith.index_cast %parallel_loop3A_420 : i32 to index
      %parallel_loop3A_522 = arith.constant 64 : index
      %parallel_loop3A_523 = tpu.vector_load %arg8[%parallel_loop3A_520, %parallel_loop3A_521, %parallel_loop3A_522] {strides = array<i32>} : memref<3x128x128xf32, #tpu.memory_space<vmem>>, vector<1x1x16xf32>,
      %parallel_loop3A_524 = vector.shape_cast %parallel_loop3A_523 : vector<1x1x16xf32> to vector<16xf32>
      %parallel_loop3A_525 = vector.shape_cast %parallel_loop3A_518 : vector<16xf32> to vector<1x1x16xf32>
      tpu.vector_store %arg8[%parallel_loop3A_520, %parallel_loop3A_521, %parallel_loop3A_522], %parallel_loop3A_525 {strides = array<i32>} : memref<3x128x128xf32, #tpu.memory_space<vmem>>, vector<1x1x16xf32>,
      %parallel_loop3A_526 = arith.constant 0 : i32
      %parallel_loop3A_527 = arith.index_cast %parallel_loop3A_526 : i32 to index
      %parallel_loop3A_528 = arith.index_cast %parallel_loop3A_420 : i32 to index
      %parallel_loop3A_529 = arith.constant 80 : index
      %parallel_loop3A_530 = tpu.vector_load %arg8[%parallel_loop3A_527, %parallel_loop3A_528, %parallel_loop3A_529] {strides = array<i32>} : memref<3x128x128xf32, #tpu.memory_space<vmem>>, vector<1x1x16xf32>,
      %parallel_loop3A_531 = vector.shape_cast %parallel_loop3A_530 : vector<1x1x16xf32> to vector<16xf32>
      %parallel_loop3A_532 = arith.constant 0.000000e+00 : f32
      %parallel_loop3A_533 = vector.broadcast %parallel_loop3A_532 : f32 to vector<16xf32>
      %parallel_loop3A_534 = arith.cmpf ogt, %parallel_loop3A_531, %parallel_loop3A_533 : vector<16xf32>
      %parallel_loop3A_535 = arith.constant 1.000000e+00 : f32
      %parallel_loop3A_536 = vector.broadcast %parallel_loop3A_535 : f32 to vector<16xf32>
      %parallel_loop3A_537 = arith.addf %parallel_loop3A_531, %parallel_loop3A_536 : vector<16xf32>
      %parallel_loop3A_538 = math.exp %parallel_loop3A_531 : vector<16xf32>
      %parallel_loop3A_539 = arith.select %parallel_loop3A_534, %parallel_loop3A_537, %parallel_loop3A_538 : vector<16xi1>, vector<16xf32>
      %parallel_loop3A_540 = arith.constant 0 : i32
      %parallel_loop3A_541 = arith.index_cast %parallel_loop3A_540 : i32 to index
      %parallel_loop3A_542 = arith.index_cast %parallel_loop3A_420 : i32 to index
      %parallel_loop3A_543 = arith.constant 80 : index
      %parallel_loop3A_544 = tpu.vector_load %arg8[%parallel_loop3A_541, %parallel_loop3A_542, %parallel_loop3A_543] {strides = array<i32>} : memref<3x128x128xf32, #tpu.memory_space<vmem>>, vector<1x1x16xf32>,
      %parallel_loop3A_545 = vector.shape_cast %parallel_loop3A_544 : vector<1x1x16xf32> to vector<16xf32>
      %parallel_loop3A_546 = vector.shape_cast %parallel_loop3A_539 : vector<16xf32> to vector<1x1x16xf32>
      tpu.vector_store %arg8[%parallel_loop3A_541, %parallel_loop3A_542, %parallel_loop3A_543], %parallel_loop3A_546 {strides = array<i32>} : memref<3x128x128xf32, #tpu.memory_space<vmem>>, vector<1x1x16xf32>,
      %parallel_loop3A_547 = arith.constant 0 : i32
      %parallel_loop3A_548 = arith.index_cast %parallel_loop3A_547 : i32 to index
      %parallel_loop3A_549 = arith.index_cast %parallel_loop3A_420 : i32 to index
      %parallel_loop3A_550 = arith.constant 96 : index
      %parallel_loop3A_551 = tpu.vector_load %arg8[%parallel_loop3A_548, %parallel_loop3A_549, %parallel_loop3A_550] {strides = array<i32>} : memref<3x128x128xf32, #tpu.memory_space<vmem>>, vector<1x1x16xf32>,
      %parallel_loop3A_552 = vector.shape_cast %parallel_loop3A_551 : vector<1x1x16xf32> to vector<16xf32>
      %parallel_loop3A_553 = arith.constant 0.000000e+00 : f32
      %parallel_loop3A_554 = vector.broadcast %parallel_loop3A_553 : f32 to vector<16xf32>
      %parallel_loop3A_555 = arith.cmpf ogt, %parallel_loop3A_552, %parallel_loop3A_554 : vector<16xf32>
      %parallel_loop3A_556 = arith.constant 1.000000e+00 : f32
      %parallel_loop3A_557 = vector.broadcast %parallel_loop3A_556 : f32 to vector<16xf32>
      %parallel_loop3A_558 = arith.addf %parallel_loop3A_552, %parallel_loop3A_557 : vector<16xf32>
      %parallel_loop3A_559 = math.exp %parallel_loop3A_552 : vector<16xf32>
      %parallel_loop3A_560 = arith.select %parallel_loop3A_555, %parallel_loop3A_558, %parallel_loop3A_559 : vector<16xi1>, vector<16xf32>
      %parallel_loop3A_561 = arith.constant 0 : i32
      %parallel_loop3A_562 = arith.index_cast %parallel_loop3A_561 : i32 to index
      %parallel_loop3A_563 = arith.index_cast %parallel_loop3A_420 : i32 to index
      %parallel_loop3A_564 = arith.constant 96 : index
      %parallel_loop3A_565 = tpu.vector_load %arg8[%parallel_loop3A_562, %parallel_loop3A_563, %parallel_loop3A_564] {strides = array<i32>} : memref<3x128x128xf32, #tpu.memory_space<vmem>>, vector<1x1x16xf32>,
      %parallel_loop3A_566 = vector.shape_cast %parallel_loop3A_565 : vector<1x1x16xf32> to vector<16xf32>
      %parallel_loop3A_567 = vector.shape_cast %parallel_loop3A_560 : vector<16xf32> to vector<1x1x16xf32>
      tpu.vector_store %arg8[%parallel_loop3A_562, %parallel_loop3A_563, %parallel_loop3A_564], %parallel_loop3A_567 {strides = array<i32>} : memref<3x128x128xf32, #tpu.memory_space<vmem>>, vector<1x1x16xf32>,
      %parallel_loop3A_568 = arith.constant 0 : i32
      %parallel_loop3A_569 = arith.index_cast %parallel_loop3A_568 : i32 to index
      %parallel_loop3A_570 = arith.index_cast %parallel_loop3A_420 : i32 to index
      %parallel_loop3A_571 = arith.constant 112 : index
      %parallel_loop3A_572 = tpu.vector_load %arg8[%parallel_loop3A_569, %parallel_loop3A_570, %parallel_loop3A_571] {strides = array<i32>} : memref<3x128x128xf32, #tpu.memory_space<vmem>>, vector<1x1x16xf32>,
      %parallel_loop3A_573 = vector.shape_cast %parallel_loop3A_572 : vector<1x1x16xf32> to vector<16xf32>
      %parallel_loop3A_574 = arith.constant 0.000000e+00 : f32
      %parallel_loop3A_575 = vector.broadcast %parallel_loop3A_574 : f32 to vector<16xf32>
      %parallel_loop3A_576 = arith.cmpf ogt, %parallel_loop3A_573, %parallel_loop3A_575 : vector<16xf32>
      %parallel_loop3A_577 = arith.constant 1.000000e+00 : f32
      %parallel_loop3A_578 = vector.broadcast %parallel_loop3A_577 : f32 to vector<16xf32>
      %parallel_loop3A_579 = arith.addf %parallel_loop3A_573, %parallel_loop3A_578 : vector<16xf32>
      %parallel_loop3A_580 = math.exp %parallel_loop3A_573 : vector<16xf32>
      %parallel_loop3A_581 = arith.select %parallel_loop3A_576, %parallel_loop3A_579, %parallel_loop3A_580 : vector<16xi1>, vector<16xf32>
      %parallel_loop3A_582 = arith.constant 0 : i32
      %parallel_loop3A_583 = arith.index_cast %parallel_loop3A_582 : i32 to index
      %parallel_loop3A_584 = arith.index_cast %parallel_loop3A_420 : i32 to index
      %parallel_loop3A_585 = arith.constant 112 : index
      %parallel_loop3A_586 = tpu.vector_load %arg8[%parallel_loop3A_583, %parallel_loop3A_584, %parallel_loop3A_585] {strides = array<i32>} : memref<3x128x128xf32, #tpu.memory_space<vmem>>, vector<1x1x16xf32>,
      %parallel_loop3A_587 = vector.shape_cast %parallel_loop3A_586 : vector<1x1x16xf32> to vector<16xf32>
      %parallel_loop3A_588 = vector.shape_cast %parallel_loop3A_581 : vector<16xf32> to vector<1x1x16xf32>
      tpu.vector_store %arg8[%parallel_loop3A_583, %parallel_loop3A_584, %parallel_loop3A_585], %parallel_loop3A_588 {strides = array<i32>} : memref<3x128x128xf32, #tpu.memory_space<vmem>>, vector<1x1x16xf32>,
    } {sc.loop_unroll_factor = 2 : i64, sc.parallel_access}
    %dma_start3A_114 = arith.constant 0 : i32
    %dma_start3A_115 = arith.constant 0 : i32
    %dma_start3A_116 = arith.constant 0 : i32
    %dma_start3A_117 = tpu.memref_slice %arg8[%dma_start3A_114, %dma_start3A_115, %dma_start3A_116] : memref<3x128x128xf32, #tpu.memory_space<vmem>> -> memref<1x128x128xf32, #tpu.memory_space<vmem>>
    %dma_start3A_118 = tpu.memref_squeeze %dma_start3A_117 : memref<1x128x128xf32, #tpu.memory_space<vmem>> -> memref<128x128xf32, #tpu.memory_space<vmem>>
    %dma_start3A_119 = arith.constant 128 : i32
    %dma_start3A_120 = tpu.memref_slice %arg5[%add3A_75, %dma_start3A_119] : memref<16384x256xf32, #tpu.memory_space<hbm>> -> memref<128x128xf32, #tpu.memory_space<hbm>>
    %dma_start3A_121 = arith.constant 128 : i32
    %dma_start3A_122 = tpu.memref_slice %arg5[%add3A_75, %dma_start3A_121] : memref<16384x256xf32, #tpu.memory_space<hbm>> -> memref<128x128xf32, #tpu.memory_space<hbm>>
    %dma_start3A_123 = arith.constant 0 : i32
    %dma_start3A_124 = arith.constant 0 : i32
    %dma_start3A_125 = tpu.memref_slice %arg8[%dma_start3A_114, %dma_start3A_123, %dma_start3A_124] : memref<3x128x128xf32, #tpu.memory_space<vmem>> -> memref<1x128x128xf32, #tpu.memory_space<vmem>>
    %dma_start3A_126 = tpu.memref_squeeze %dma_start3A_125 : memref<1x128x128xf32, #tpu.memory_space<vmem>> -> memref<128x128xf32, #tpu.memory_space<vmem>>
    tpu.enqueue_dma source(%dma_start3A_126 : memref<128x128xf32, #tpu.memory_space<vmem>>) target(%dma_start3A_122 : memref<128x128xf32, #tpu.memory_space<hbm>>) target_semaphore(%arg12 : memref<!tpu.dma_semaphore, #tpu.memory_space<semaphore_mem>>)
    %dma_wait3A_127 = arith.constant 0 : i32
    %dma_wait3A_128 = arith.constant 0 : i32
    %dma_wait3A_129 = arith.constant 0 : i32
    %dma_wait3A_130 = tpu.memref_slice %arg7[%dma_wait3A_127, %dma_wait3A_128, %dma_wait3A_129] : memref<3x128x128xf32, #tpu.memory_space<vmem>> -> memref<1x128x128xf32, #tpu.memory_space<vmem>>
    %dma_wait3A_131 = tpu.memref_squeeze %dma_wait3A_130 : memref<1x128x128xf32, #tpu.memory_space<vmem>> -> memref<128x128xf32, #tpu.memory_space<vmem>>
    %dma_wait3A_132 = arith.constant 0 : i32
    %dma_wait3A_133 = tpu.memref_slice %arg5[%add3A_75, %dma_wait3A_132] : memref<16384x256xf32, #tpu.memory_space<hbm>> -> memref<128x128xf32, #tpu.memory_space<hbm>>
    %dma_wait3A_134 = arith.constant 0 : i32
    %dma_wait3A_135 = tpu.memref_slice %arg5[%add3A_75, %dma_wait3A_134] : memref<16384x256xf32, #tpu.memory_space<hbm>> -> memref<128x128xf32, #tpu.memory_space<hbm>>
    %dma_wait3A_136 = arith.constant 0 : i32
    %dma_wait3A_137 = arith.constant 0 : i32
    %dma_wait3A_138 = tpu.memref_slice %arg7[%dma_wait3A_127, %dma_wait3A_136, %dma_wait3A_137] : memref<3x128x128xf32, #tpu.memory_space<vmem>> -> memref<1x128x128xf32, #tpu.memory_space<vmem>>
    %dma_wait3A_139 = tpu.memref_squeeze %dma_wait3A_138 : memref<1x128x128xf32, #tpu.memory_space<vmem>> -> memref<128x128xf32, #tpu.memory_space<vmem>>
    tpu.wait_dma2 semaphore(%arg12 : memref<!tpu.dma_semaphore, #tpu.memory_space<semaphore_mem>>) src(%dma_wait3A_139 : memref<128x128xf32, #tpu.memory_space<vmem>>) dst(%dma_wait3A_135 : memref<128x128xf32, #tpu.memory_space<hbm>>)
    %dma_wait3A_140 = arith.constant 0 : i32
    %dma_wait3A_141 = arith.constant 0 : i32
    %dma_wait3A_142 = arith.constant 0 : i32
    %dma_wait3A_143 = tpu.memref_slice %arg8[%dma_wait3A_140, %dma_wait3A_141, %dma_wait3A_142] : memref<3x128x128xf32, #tpu.memory_space<vmem>> -> memref<1x128x128xf32, #tpu.memory_space<vmem>>
    %dma_wait3A_144 = tpu.memref_squeeze %dma_wait3A_143 : memref<1x128x128xf32, #tpu.memory_space<vmem>> -> memref<128x128xf32, #tpu.memory_space<vmem>>
    %dma_wait3A_145 = arith.constant 128 : i32
    %dma_wait3A_146 = tpu.memref_slice %arg5[%add3A_75, %dma_wait3A_145] : memref<16384x256xf32, #tpu.memory_space<hbm>> -> memref<128x128xf32, #tpu.memory_space<hbm>>
    %dma_wait3A_147 = arith.constant 128 : i32
    %dma_wait3A_148 = tpu.memref_slice %arg5[%add3A_75, %dma_wait3A_147] : memref<16384x256xf32, #tpu.memory_space<hbm>> -> memref<128x128xf32, #tpu.memory_space<hbm>>
    %dma_wait3A_149 = arith.constant 0 : i32
    %dma_wait3A_150 = arith.constant 0 : i32
    %dma_wait3A_151 = tpu.memref_slice %arg8[%dma_wait3A_140, %dma_wait3A_149, %dma_wait3A_150] : memref<3x128x128xf32, #tpu.memory_space<vmem>> -> memref<1x128x128xf32, #tpu.memory_space<vmem>>
    %dma_wait3A_152 = tpu.memref_squeeze %dma_wait3A_151 : memref<1x128x128xf32, #tpu.memory_space<vmem>> -> memref<128x128xf32, #tpu.memory_space<vmem>>
    tpu.wait_dma2 semaphore(%arg12 : memref<!tpu.dma_semaphore, #tpu.memory_space<semaphore_mem>>) src(%dma_wait3A_152 : memref<128x128xf32, #tpu.memory_space<vmem>>) dst(%dma_wait3A_148 : memref<128x128xf32, #tpu.memory_space<hbm>>)
    %dma_start3A_153 = arith.constant 3 : i32
    %dma_start3A_154 = arith.constant 0 : i32
    %dma_start3A_155 = arith.constant 0 : i32
    %dma_start3A_156 = arith.constant 0 : i32
    %dma_start3A_157 = tpu.memref_slice %arg7[%dma_start3A_154, %dma_start3A_155, %dma_start3A_156] : memref<3x128x128xf32, #tpu.memory_space<vmem>> -> memref<1x128x128xf32, #tpu.memory_space<vmem>>
    %dma_start3A_158 = tpu.memref_squeeze %dma_start3A_157 : memref<1x128x128xf32, #tpu.memory_space<vmem>> -> memref<128x128xf32, #tpu.memory_space<vmem>>
    %dma_start3A_159 = arith.constant 0 : i32
    %dma_start3A_160 = tpu.memref_slice %arg6[%dma_start3A_153, %dma_start3A_159] : memref<4x128xi32, #tpu.memory_space<vmem>> -> memref<1x128xi32, #tpu.memory_space<vmem>>
    %dma_start3A_161 = tpu.memref_squeeze %dma_start3A_160 : memref<1x128xi32, #tpu.memory_space<vmem>> -> memref<128xi32, #tpu.memory_space<vmem>>
    %dma_start3A_162 = arith.constant 0 : i32
    %dma_start3A_163 = arith.constant 0 : i32
    %dma_start3A_164 = tpu.memref_slice %arg3[%dma_start3A_162, %dma_start3A_163] : memref<100000x128xf32, #tpu.memory_space<hbm>> -> memref<100000x128xf32, #tpu.memory_space<hbm>>
    tpu.enqueue_indirect_dma source(%dma_start3A_164 : memref<100000x128xf32, #tpu.memory_space<hbm>>) target(%dma_start3A_158 : memref<128x128xf32, #tpu.memory_space<vmem>>) offsets(%dma_start3A_161 : memref<128xi32, #tpu.memory_space<vmem>>) semaphore(%arg9 : memref<!tpu.dma_semaphore, #tpu.memory_space<semaphore_mem>>)
    %dma_start3A_165 = arith.constant 3 : i32
    %dma_start3A_166 = arith.constant 0 : i32
    %dma_start3A_167 = arith.constant 0 : i32
    %dma_start3A_168 = arith.constant 0 : i32
    %dma_start3A_169 = tpu.memref_slice %arg8[%dma_start3A_166, %dma_start3A_167, %dma_start3A_168] : memref<3x128x128xf32, #tpu.memory_space<vmem>> -> memref<1x128x128xf32, #tpu.memory_space<vmem>>
    %dma_start3A_170 = tpu.memref_squeeze %dma_start3A_169 : memref<1x128x128xf32, #tpu.memory_space<vmem>> -> memref<128x128xf32, #tpu.memory_space<vmem>>
    %dma_start3A_171 = arith.constant 0 : i32
    %dma_start3A_172 = tpu.memref_slice %arg6[%dma_start3A_165, %dma_start3A_171] : memref<4x128xi32, #tpu.memory_space<vmem>> -> memref<1x128xi32, #tpu.memory_space<vmem>>
    %dma_start3A_173 = tpu.memref_squeeze %dma_start3A_172 : memref<1x128xi32, #tpu.memory_space<vmem>> -> memref<128xi32, #tpu.memory_space<vmem>>
    %dma_start3A_174 = arith.constant 0 : i32
    %dma_start3A_175 = arith.constant 0 : i32
    %dma_start3A_176 = tpu.memref_slice %arg4[%dma_start3A_174, %dma_start3A_175] : memref<100000x128xf32, #tpu.memory_space<hbm>> -> memref<100000x128xf32, #tpu.memory_space<hbm>>
    tpu.enqueue_indirect_dma source(%dma_start3A_176 : memref<100000x128xf32, #tpu.memory_space<hbm>>) target(%dma_start3A_170 : memref<128x128xf32, #tpu.memory_space<vmem>>) offsets(%dma_start3A_173 : memref<128xi32, #tpu.memory_space<vmem>>) semaphore(%arg9 : memref<!tpu.dma_semaphore, #tpu.memory_space<semaphore_mem>>)
    %add3A_177 = arith.constant 128 : i32
    %add3A_178 = arith.addi %mul3A_2, %add3A_177 : i32
    %dma_wait3A_179 = arith.constant 1 : i32
    %dma_wait3A_180 = arith.constant 1 : i32
    %dma_wait3A_181 = arith.constant 0 : i32
    %dma_wait3A_182 = arith.constant 0 : i32
    %dma_wait3A_183 = tpu.memref_slice %arg7[%dma_wait3A_180, %dma_wait3A_181, %dma_wait3A_182] : memref<3x128x128xf32, #tpu.memory_space<vmem>> -> memref<1x128x128xf32, #tpu.memory_space<vmem>>
    %dma_wait3A_184 = tpu.memref_squeeze %dma_wait3A_183 : memref<1x128x128xf32, #tpu.memory_space<vmem>> -> memref<128x128xf32, #tpu.memory_space<vmem>>
    %dma_wait3A_185 = arith.constant 0 : i32
    %dma_wait3A_186 = tpu.memref_slice %arg6[%dma_wait3A_179, %dma_wait3A_185] : memref<4x128xi32, #tpu.memory_space<vmem>> -> memref<1x128xi32, #tpu.memory_space<vmem>>
    %dma_wait3A_187 = tpu.memref_squeeze %dma_wait3A_186 : memref<1x128xi32, #tpu.memory_space<vmem>> -> memref<128xi32, #tpu.memory_space<vmem>>
    %dma_wait3A_188 = arith.constant 0 : i32
    %dma_wait3A_189 = arith.constant 0 : i32
    %dma_wait3A_190 = tpu.memref_slice %arg3[%dma_wait3A_188, %dma_wait3A_189] : memref<100000x128xf32, #tpu.memory_space<hbm>> -> memref<100000x128xf32, #tpu.memory_space<hbm>>
    tpu.wait_indirect_dma semaphore(%arg10 : memref<!tpu.dma_semaphore, #tpu.memory_space<semaphore_mem>>) src(%dma_wait3A_190 : memref<100000x128xf32, #tpu.memory_space<hbm>>) dst(%dma_wait3A_184 : memref<128x128xf32, #tpu.memory_space<vmem>>)
    %dma_start3A_191 = arith.constant 1 : i32
    %dma_start3A_192 = arith.constant 0 : i32
    %dma_start3A_193 = arith.constant 0 : i32
    %dma_start3A_194 = tpu.memref_slice %arg7[%dma_start3A_191, %dma_start3A_192, %dma_start3A_193] : memref<3x128x128xf32, #tpu.memory_space<vmem>> -> memref<1x128x128xf32, #tpu.memory_space<vmem>>
    %dma_start3A_195 = tpu.memref_squeeze %dma_start3A_194 : memref<1x128x128xf32, #tpu.memory_space<vmem>> -> memref<128x128xf32, #tpu.memory_space<vmem>>
    %dma_start3A_196 = arith.constant 0 : i32
    %dma_start3A_197 = tpu.memref_slice %arg5[%add3A_178, %dma_start3A_196] : memref<16384x256xf32, #tpu.memory_space<hbm>> -> memref<128x128xf32, #tpu.memory_space<hbm>>
    %dma_start3A_198 = arith.constant 0 : i32
    %dma_start3A_199 = tpu.memref_slice %arg5[%add3A_178, %dma_start3A_198] : memref<16384x256xf32, #tpu.memory_space<hbm>> -> memref<128x128xf32, #tpu.memory_space<hbm>>
    %dma_start3A_200 = arith.constant 0 : i32
    %dma_start3A_201 = arith.constant 0 : i32
    %dma_start3A_202 = tpu.memref_slice %arg7[%dma_start3A_191, %dma_start3A_200, %dma_start3A_201] : memref<3x128x128xf32, #tpu.memory_space<vmem>> -> memref<1x128x128xf32, #tpu.memory_space<vmem>>
    %dma_start3A_203 = tpu.memref_squeeze %dma_start3A_202 : memref<1x128x128xf32, #tpu.memory_space<vmem>> -> memref<128x128xf32, #tpu.memory_space<vmem>>
    tpu.enqueue_dma source(%dma_start3A_203 : memref<128x128xf32, #tpu.memory_space<vmem>>) target(%dma_start3A_199 : memref<128x128xf32, #tpu.memory_space<hbm>>) target_semaphore(%arg13 : memref<!tpu.dma_semaphore, #tpu.memory_space<semaphore_mem>>)
    %dma_wait3A_204 = arith.constant 1 : i32
    %dma_wait3A_205 = arith.constant 1 : i32
    %dma_wait3A_206 = arith.constant 0 : i32
    %dma_wait3A_207 = arith.constant 0 : i32
    %dma_wait3A_208 = tpu.memref_slice %arg8[%dma_wait3A_205, %dma_wait3A_206, %dma_wait3A_207] : memref<3x128x128xf32, #tpu.memory_space<vmem>> -> memref<1x128x128xf32, #tpu.memory_space<vmem>>
    %dma_wait3A_209 = tpu.memref_squeeze %dma_wait3A_208 : memref<1x128x128xf32, #tpu.memory_space<vmem>> -> memref<128x128xf32, #tpu.memory_space<vmem>>
    %dma_wait3A_210 = arith.constant 0 : i32
    %dma_wait3A_211 = tpu.memref_slice %arg6[%dma_wait3A_204, %dma_wait3A_210] : memref<4x128xi32, #tpu.memory_space<vmem>> -> memref<1x128xi32, #tpu.memory_space<vmem>>
    %dma_wait3A_212 = tpu.memref_squeeze %dma_wait3A_211 : memref<1x128xi32, #tpu.memory_space<vmem>> -> memref<128xi32, #tpu.memory_space<vmem>>
    %dma_wait3A_213 = arith.constant 0 : i32
    %dma_wait3A_214 = arith.constant 0 : i32
    %dma_wait3A_215 = tpu.memref_slice %arg4[%dma_wait3A_213, %dma_wait3A_214] : memref<100000x128xf32, #tpu.memory_space<hbm>> -> memref<100000x128xf32, #tpu.memory_space<hbm>>
    tpu.wait_indirect_dma semaphore(%arg10 : memref<!tpu.dma_semaphore, #tpu.memory_space<semaphore_mem>>) src(%dma_wait3A_215 : memref<100000x128xf32, #tpu.memory_space<hbm>>) dst(%dma_wait3A_209 : memref<128x128xf32, #tpu.memory_space<vmem>>)
    %parallel_loop3A_216 = arith.constant 0 : i32
    %parallel_loop3A_217 = arith.constant 128 : i32
    %parallel_loop3A_218 = arith.constant 1 : i32
    scf.for %parallel_loop3A_420 = %parallel_loop3A_216 to %parallel_loop3A_217 step %parallel_loop3A_218  : i32 {
      %parallel_loop3A_421 = arith.constant 1 : i32
      %parallel_loop3A_422 = arith.index_cast %parallel_loop3A_421 : i32 to index
      %parallel_loop3A_423 = arith.index_cast %parallel_loop3A_420 : i32 to index
      %parallel_loop3A_424 = arith.constant 0 : index
      %parallel_loop3A_425 = tpu.vector_load %arg8[%parallel_loop3A_422, %parallel_loop3A_423, %parallel_loop3A_424] {strides = array<i32>} : memref<3x128x128xf32, #tpu.memory_space<vmem>>, vector<1x1x16xf32>,
      %parallel_loop3A_426 = vector.shape_cast %parallel_loop3A_425 : vector<1x1x16xf32> to vector<16xf32>
      %parallel_loop3A_427 = arith.constant 0.000000e+00 : f32
      %parallel_loop3A_428 = vector.broadcast %parallel_loop3A_427 : f32 to vector<16xf32>
      %parallel_loop3A_429 = arith.cmpf ogt, %parallel_loop3A_426, %parallel_loop3A_428 : vector<16xf32>
      %parallel_loop3A_430 = arith.constant 1.000000e+00 : f32
      %parallel_loop3A_431 = vector.broadcast %parallel_loop3A_430 : f32 to vector<16xf32>
      %parallel_loop3A_432 = arith.addf %parallel_loop3A_426, %parallel_loop3A_431 : vector<16xf32>
      %parallel_loop3A_433 = math.exp %parallel_loop3A_426 : vector<16xf32>
      %parallel_loop3A_434 = arith.select %parallel_loop3A_429, %parallel_loop3A_432, %parallel_loop3A_433 : vector<16xi1>, vector<16xf32>
      %parallel_loop3A_435 = arith.constant 1 : i32
      %parallel_loop3A_436 = arith.index_cast %parallel_loop3A_435 : i32 to index
      %parallel_loop3A_437 = arith.index_cast %parallel_loop3A_420 : i32 to index
      %parallel_loop3A_438 = arith.constant 0 : index
      %parallel_loop3A_439 = tpu.vector_load %arg8[%parallel_loop3A_436, %parallel_loop3A_437, %parallel_loop3A_438] {strides = array<i32>} : memref<3x128x128xf32, #tpu.memory_space<vmem>>, vector<1x1x16xf32>,
      %parallel_loop3A_440 = vector.shape_cast %parallel_loop3A_439 : vector<1x1x16xf32> to vector<16xf32>
      %parallel_loop3A_441 = vector.shape_cast %parallel_loop3A_434 : vector<16xf32> to vector<1x1x16xf32>
      tpu.vector_store %arg8[%parallel_loop3A_436, %parallel_loop3A_437, %parallel_loop3A_438], %parallel_loop3A_441 {strides = array<i32>} : memref<3x128x128xf32, #tpu.memory_space<vmem>>, vector<1x1x16xf32>,
      %parallel_loop3A_442 = arith.constant 1 : i32
      %parallel_loop3A_443 = arith.index_cast %parallel_loop3A_442 : i32 to index
      %parallel_loop3A_444 = arith.index_cast %parallel_loop3A_420 : i32 to index
      %parallel_loop3A_445 = arith.constant 16 : index
      %parallel_loop3A_446 = tpu.vector_load %arg8[%parallel_loop3A_443, %parallel_loop3A_444, %parallel_loop3A_445] {strides = array<i32>} : memref<3x128x128xf32, #tpu.memory_space<vmem>>, vector<1x1x16xf32>,
      %parallel_loop3A_447 = vector.shape_cast %parallel_loop3A_446 : vector<1x1x16xf32> to vector<16xf32>
      %parallel_loop3A_448 = arith.constant 0.000000e+00 : f32
      %parallel_loop3A_449 = vector.broadcast %parallel_loop3A_448 : f32 to vector<16xf32>
      %parallel_loop3A_450 = arith.cmpf ogt, %parallel_loop3A_447, %parallel_loop3A_449 : vector<16xf32>
      %parallel_loop3A_451 = arith.constant 1.000000e+00 : f32
      %parallel_loop3A_452 = vector.broadcast %parallel_loop3A_451 : f32 to vector<16xf32>
      %parallel_loop3A_453 = arith.addf %parallel_loop3A_447, %parallel_loop3A_452 : vector<16xf32>
      %parallel_loop3A_454 = math.exp %parallel_loop3A_447 : vector<16xf32>
      %parallel_loop3A_455 = arith.select %parallel_loop3A_450, %parallel_loop3A_453, %parallel_loop3A_454 : vector<16xi1>, vector<16xf32>
      %parallel_loop3A_456 = arith.constant 1 : i32
      %parallel_loop3A_457 = arith.index_cast %parallel_loop3A_456 : i32 to index
      %parallel_loop3A_458 = arith.index_cast %parallel_loop3A_420 : i32 to index
      %parallel_loop3A_459 = arith.constant 16 : index
      %parallel_loop3A_460 = tpu.vector_load %arg8[%parallel_loop3A_457, %parallel_loop3A_458, %parallel_loop3A_459] {strides = array<i32>} : memref<3x128x128xf32, #tpu.memory_space<vmem>>, vector<1x1x16xf32>,
      %parallel_loop3A_461 = vector.shape_cast %parallel_loop3A_460 : vector<1x1x16xf32> to vector<16xf32>
      %parallel_loop3A_462 = vector.shape_cast %parallel_loop3A_455 : vector<16xf32> to vector<1x1x16xf32>
      tpu.vector_store %arg8[%parallel_loop3A_457, %parallel_loop3A_458, %parallel_loop3A_459], %parallel_loop3A_462 {strides = array<i32>} : memref<3x128x128xf32, #tpu.memory_space<vmem>>, vector<1x1x16xf32>,
      %parallel_loop3A_463 = arith.constant 1 : i32
      %parallel_loop3A_464 = arith.index_cast %parallel_loop3A_463 : i32 to index
      %parallel_loop3A_465 = arith.index_cast %parallel_loop3A_420 : i32 to index
      %parallel_loop3A_466 = arith.constant 32 : index
      %parallel_loop3A_467 = tpu.vector_load %arg8[%parallel_loop3A_464, %parallel_loop3A_465, %parallel_loop3A_466] {strides = array<i32>} : memref<3x128x128xf32, #tpu.memory_space<vmem>>, vector<1x1x16xf32>,
      %parallel_loop3A_468 = vector.shape_cast %parallel_loop3A_467 : vector<1x1x16xf32> to vector<16xf32>
      %parallel_loop3A_469 = arith.constant 0.000000e+00 : f32
      %parallel_loop3A_470 = vector.broadcast %parallel_loop3A_469 : f32 to vector<16xf32>
      %parallel_loop3A_471 = arith.cmpf ogt, %parallel_loop3A_468, %parallel_loop3A_470 : vector<16xf32>
      %parallel_loop3A_472 = arith.constant 1.000000e+00 : f32
      %parallel_loop3A_473 = vector.broadcast %parallel_loop3A_472 : f32 to vector<16xf32>
      %parallel_loop3A_474 = arith.addf %parallel_loop3A_468, %parallel_loop3A_473 : vector<16xf32>
      %parallel_loop3A_475 = math.exp %parallel_loop3A_468 : vector<16xf32>
      %parallel_loop3A_476 = arith.select %parallel_loop3A_471, %parallel_loop3A_474, %parallel_loop3A_475 : vector<16xi1>, vector<16xf32>
      %parallel_loop3A_477 = arith.constant 1 : i32
      %parallel_loop3A_478 = arith.index_cast %parallel_loop3A_477 : i32 to index
      %parallel_loop3A_479 = arith.index_cast %parallel_loop3A_420 : i32 to index
      %parallel_loop3A_480 = arith.constant 32 : index
      %parallel_loop3A_481 = tpu.vector_load %arg8[%parallel_loop3A_478, %parallel_loop3A_479, %parallel_loop3A_480] {strides = array<i32>} : memref<3x128x128xf32, #tpu.memory_space<vmem>>, vector<1x1x16xf32>,
      %parallel_loop3A_482 = vector.shape_cast %parallel_loop3A_481 : vector<1x1x16xf32> to vector<16xf32>
      %parallel_loop3A_483 = vector.shape_cast %parallel_loop3A_476 : vector<16xf32> to vector<1x1x16xf32>
      tpu.vector_store %arg8[%parallel_loop3A_478, %parallel_loop3A_479, %parallel_loop3A_480], %parallel_loop3A_483 {strides = array<i32>} : memref<3x128x128xf32, #tpu.memory_space<vmem>>, vector<1x1x16xf32>,
      %parallel_loop3A_484 = arith.constant 1 : i32
      %parallel_loop3A_485 = arith.index_cast %parallel_loop3A_484 : i32 to index
      %parallel_loop3A_486 = arith.index_cast %parallel_loop3A_420 : i32 to index
      %parallel_loop3A_487 = arith.constant 48 : index
      %parallel_loop3A_488 = tpu.vector_load %arg8[%parallel_loop3A_485, %parallel_loop3A_486, %parallel_loop3A_487] {strides = array<i32>} : memref<3x128x128xf32, #tpu.memory_space<vmem>>, vector<1x1x16xf32>,
      %parallel_loop3A_489 = vector.shape_cast %parallel_loop3A_488 : vector<1x1x16xf32> to vector<16xf32>
      %parallel_loop3A_490 = arith.constant 0.000000e+00 : f32
      %parallel_loop3A_491 = vector.broadcast %parallel_loop3A_490 : f32 to vector<16xf32>
      %parallel_loop3A_492 = arith.cmpf ogt, %parallel_loop3A_489, %parallel_loop3A_491 : vector<16xf32>
      %parallel_loop3A_493 = arith.constant 1.000000e+00 : f32
      %parallel_loop3A_494 = vector.broadcast %parallel_loop3A_493 : f32 to vector<16xf32>
      %parallel_loop3A_495 = arith.addf %parallel_loop3A_489, %parallel_loop3A_494 : vector<16xf32>
      %parallel_loop3A_496 = math.exp %parallel_loop3A_489 : vector<16xf32>
      %parallel_loop3A_497 = arith.select %parallel_loop3A_492, %parallel_loop3A_495, %parallel_loop3A_496 : vector<16xi1>, vector<16xf32>
      %parallel_loop3A_498 = arith.constant 1 : i32
      %parallel_loop3A_499 = arith.index_cast %parallel_loop3A_498 : i32 to index
      %parallel_loop3A_500 = arith.index_cast %parallel_loop3A_420 : i32 to index
      %parallel_loop3A_501 = arith.constant 48 : index
      %parallel_loop3A_502 = tpu.vector_load %arg8[%parallel_loop3A_499, %parallel_loop3A_500, %parallel_loop3A_501] {strides = array<i32>} : memref<3x128x128xf32, #tpu.memory_space<vmem>>, vector<1x1x16xf32>,
      %parallel_loop3A_503 = vector.shape_cast %parallel_loop3A_502 : vector<1x1x16xf32> to vector<16xf32>
      %parallel_loop3A_504 = vector.shape_cast %parallel_loop3A_497 : vector<16xf32> to vector<1x1x16xf32>
      tpu.vector_store %arg8[%parallel_loop3A_499, %parallel_loop3A_500, %parallel_loop3A_501], %parallel_loop3A_504 {strides = array<i32>} : memref<3x128x128xf32, #tpu.memory_space<vmem>>, vector<1x1x16xf32>,
      %parallel_loop3A_505 = arith.constant 1 : i32
      %parallel_loop3A_506 = arith.index_cast %parallel_loop3A_505 : i32 to index
      %parallel_loop3A_507 = arith.index_cast %parallel_loop3A_420 : i32 to index
      %parallel_loop3A_508 = arith.constant 64 : index
      %parallel_loop3A_509 = tpu.vector_load %arg8[%parallel_loop3A_506, %parallel_loop3A_507, %parallel_loop3A_508] {strides = array<i32>} : memref<3x128x128xf32, #tpu.memory_space<vmem>>, vector<1x1x16xf32>,
      %parallel_loop3A_510 = vector.shape_cast %parallel_loop3A_509 : vector<1x1x16xf32> to vector<16xf32>
      %parallel_loop3A_511 = arith.constant 0.000000e+00 : f32
      %parallel_loop3A_512 = vector.broadcast %parallel_loop3A_511 : f32 to vector<16xf32>
      %parallel_loop3A_513 = arith.cmpf ogt, %parallel_loop3A_510, %parallel_loop3A_512 : vector<16xf32>
      %parallel_loop3A_514 = arith.constant 1.000000e+00 : f32
      %parallel_loop3A_515 = vector.broadcast %parallel_loop3A_514 : f32 to vector<16xf32>
      %parallel_loop3A_516 = arith.addf %parallel_loop3A_510, %parallel_loop3A_515 : vector<16xf32>
      %parallel_loop3A_517 = math.exp %parallel_loop3A_510 : vector<16xf32>
      %parallel_loop3A_518 = arith.select %parallel_loop3A_513, %parallel_loop3A_516, %parallel_loop3A_517 : vector<16xi1>, vector<16xf32>
      %parallel_loop3A_519 = arith.constant 1 : i32
      %parallel_loop3A_520 = arith.index_cast %parallel_loop3A_519 : i32 to index
      %parallel_loop3A_521 = arith.index_cast %parallel_loop3A_420 : i32 to index
      %parallel_loop3A_522 = arith.constant 64 : index
      %parallel_loop3A_523 = tpu.vector_load %arg8[%parallel_loop3A_520, %parallel_loop3A_521, %parallel_loop3A_522] {strides = array<i32>} : memref<3x128x128xf32, #tpu.memory_space<vmem>>, vector<1x1x16xf32>,
      %parallel_loop3A_524 = vector.shape_cast %parallel_loop3A_523 : vector<1x1x16xf32> to vector<16xf32>
      %parallel_loop3A_525 = vector.shape_cast %parallel_loop3A_518 : vector<16xf32> to vector<1x1x16xf32>
      tpu.vector_store %arg8[%parallel_loop3A_520, %parallel_loop3A_521, %parallel_loop3A_522], %parallel_loop3A_525 {strides = array<i32>} : memref<3x128x128xf32, #tpu.memory_space<vmem>>, vector<1x1x16xf32>,
      %parallel_loop3A_526 = arith.constant 1 : i32
      %parallel_loop3A_527 = arith.index_cast %parallel_loop3A_526 : i32 to index
      %parallel_loop3A_528 = arith.index_cast %parallel_loop3A_420 : i32 to index
      %parallel_loop3A_529 = arith.constant 80 : index
      %parallel_loop3A_530 = tpu.vector_load %arg8[%parallel_loop3A_527, %parallel_loop3A_528, %parallel_loop3A_529] {strides = array<i32>} : memref<3x128x128xf32, #tpu.memory_space<vmem>>, vector<1x1x16xf32>,
      %parallel_loop3A_531 = vector.shape_cast %parallel_loop3A_530 : vector<1x1x16xf32> to vector<16xf32>
      %parallel_loop3A_532 = arith.constant 0.000000e+00 : f32
      %parallel_loop3A_533 = vector.broadcast %parallel_loop3A_532 : f32 to vector<16xf32>
      %parallel_loop3A_534 = arith.cmpf ogt, %parallel_loop3A_531, %parallel_loop3A_533 : vector<16xf32>
      %parallel_loop3A_535 = arith.constant 1.000000e+00 : f32
      %parallel_loop3A_536 = vector.broadcast %parallel_loop3A_535 : f32 to vector<16xf32>
      %parallel_loop3A_537 = arith.addf %parallel_loop3A_531, %parallel_loop3A_536 : vector<16xf32>
      %parallel_loop3A_538 = math.exp %parallel_loop3A_531 : vector<16xf32>
      %parallel_loop3A_539 = arith.select %parallel_loop3A_534, %parallel_loop3A_537, %parallel_loop3A_538 : vector<16xi1>, vector<16xf32>
      %parallel_loop3A_540 = arith.constant 1 : i32
      %parallel_loop3A_541 = arith.index_cast %parallel_loop3A_540 : i32 to index
      %parallel_loop3A_542 = arith.index_cast %parallel_loop3A_420 : i32 to index
      %parallel_loop3A_543 = arith.constant 80 : index
      %parallel_loop3A_544 = tpu.vector_load %arg8[%parallel_loop3A_541, %parallel_loop3A_542, %parallel_loop3A_543] {strides = array<i32>} : memref<3x128x128xf32, #tpu.memory_space<vmem>>, vector<1x1x16xf32>,
      %parallel_loop3A_545 = vector.shape_cast %parallel_loop3A_544 : vector<1x1x16xf32> to vector<16xf32>
      %parallel_loop3A_546 = vector.shape_cast %parallel_loop3A_539 : vector<16xf32> to vector<1x1x16xf32>
      tpu.vector_store %arg8[%parallel_loop3A_541, %parallel_loop3A_542, %parallel_loop3A_543], %parallel_loop3A_546 {strides = array<i32>} : memref<3x128x128xf32, #tpu.memory_space<vmem>>, vector<1x1x16xf32>,
      %parallel_loop3A_547 = arith.constant 1 : i32
      %parallel_loop3A_548 = arith.index_cast %parallel_loop3A_547 : i32 to index
      %parallel_loop3A_549 = arith.index_cast %parallel_loop3A_420 : i32 to index
      %parallel_loop3A_550 = arith.constant 96 : index
      %parallel_loop3A_551 = tpu.vector_load %arg8[%parallel_loop3A_548, %parallel_loop3A_549, %parallel_loop3A_550] {strides = array<i32>} : memref<3x128x128xf32, #tpu.memory_space<vmem>>, vector<1x1x16xf32>,
      %parallel_loop3A_552 = vector.shape_cast %parallel_loop3A_551 : vector<1x1x16xf32> to vector<16xf32>
      %parallel_loop3A_553 = arith.constant 0.000000e+00 : f32
      %parallel_loop3A_554 = vector.broadcast %parallel_loop3A_553 : f32 to vector<16xf32>
      %parallel_loop3A_555 = arith.cmpf ogt, %parallel_loop3A_552, %parallel_loop3A_554 : vector<16xf32>
      %parallel_loop3A_556 = arith.constant 1.000000e+00 : f32
      %parallel_loop3A_557 = vector.broadcast %parallel_loop3A_556 : f32 to vector<16xf32>
      %parallel_loop3A_558 = arith.addf %parallel_loop3A_552, %parallel_loop3A_557 : vector<16xf32>
      %parallel_loop3A_559 = math.exp %parallel_loop3A_552 : vector<16xf32>
      %parallel_loop3A_560 = arith.select %parallel_loop3A_555, %parallel_loop3A_558, %parallel_loop3A_559 : vector<16xi1>, vector<16xf32>
      %parallel_loop3A_561 = arith.constant 1 : i32
      %parallel_loop3A_562 = arith.index_cast %parallel_loop3A_561 : i32 to index
      %parallel_loop3A_563 = arith.index_cast %parallel_loop3A_420 : i32 to index
      %parallel_loop3A_564 = arith.constant 96 : index
      %parallel_loop3A_565 = tpu.vector_load %arg8[%parallel_loop3A_562, %parallel_loop3A_563, %parallel_loop3A_564] {strides = array<i32>} : memref<3x128x128xf32, #tpu.memory_space<vmem>>, vector<1x1x16xf32>,
      %parallel_loop3A_566 = vector.shape_cast %parallel_loop3A_565 : vector<1x1x16xf32> to vector<16xf32>
      %parallel_loop3A_567 = vector.shape_cast %parallel_loop3A_560 : vector<16xf32> to vector<1x1x16xf32>
      tpu.vector_store %arg8[%parallel_loop3A_562, %parallel_loop3A_563, %parallel_loop3A_564], %parallel_loop3A_567 {strides = array<i32>} : memref<3x128x128xf32, #tpu.memory_space<vmem>>, vector<1x1x16xf32>,
      %parallel_loop3A_568 = arith.constant 1 : i32
      %parallel_loop3A_569 = arith.index_cast %parallel_loop3A_568 : i32 to index
      %parallel_loop3A_570 = arith.index_cast %parallel_loop3A_420 : i32 to index
      %parallel_loop3A_571 = arith.constant 112 : index
      %parallel_loop3A_572 = tpu.vector_load %arg8[%parallel_loop3A_569, %parallel_loop3A_570, %parallel_loop3A_571] {strides = array<i32>} : memref<3x128x128xf32, #tpu.memory_space<vmem>>, vector<1x1x16xf32>,
      %parallel_loop3A_573 = vector.shape_cast %parallel_loop3A_572 : vector<1x1x16xf32> to vector<16xf32>
      %parallel_loop3A_574 = arith.constant 0.000000e+00 : f32
      %parallel_loop3A_575 = vector.broadcast %parallel_loop3A_574 : f32 to vector<16xf32>
      %parallel_loop3A_576 = arith.cmpf ogt, %parallel_loop3A_573, %parallel_loop3A_575 : vector<16xf32>
      %parallel_loop3A_577 = arith.constant 1.000000e+00 : f32
      %parallel_loop3A_578 = vector.broadcast %parallel_loop3A_577 : f32 to vector<16xf32>
      %parallel_loop3A_579 = arith.addf %parallel_loop3A_573, %parallel_loop3A_578 : vector<16xf32>
      %parallel_loop3A_580 = math.exp %parallel_loop3A_573 : vector<16xf32>
      %parallel_loop3A_581 = arith.select %parallel_loop3A_576, %parallel_loop3A_579, %parallel_loop3A_580 : vector<16xi1>, vector<16xf32>
      %parallel_loop3A_582 = arith.constant 1 : i32
      %parallel_loop3A_583 = arith.index_cast %parallel_loop3A_582 : i32 to index
      %parallel_loop3A_584 = arith.index_cast %parallel_loop3A_420 : i32 to index
      %parallel_loop3A_585 = arith.constant 112 : index
      %parallel_loop3A_586 = tpu.vector_load %arg8[%parallel_loop3A_583, %parallel_loop3A_584, %parallel_loop3A_585] {strides = array<i32>} : memref<3x128x128xf32, #tpu.memory_space<vmem>>, vector<1x1x16xf32>,
      %parallel_loop3A_587 = vector.shape_cast %parallel_loop3A_586 : vector<1x1x16xf32> to vector<16xf32>
      %parallel_loop3A_588 = vector.shape_cast %parallel_loop3A_581 : vector<16xf32> to vector<1x1x16xf32>
      tpu.vector_store %arg8[%parallel_loop3A_583, %parallel_loop3A_584, %parallel_loop3A_585], %parallel_loop3A_588 {strides = array<i32>} : memref<3x128x128xf32, #tpu.memory_space<vmem>>, vector<1x1x16xf32>,
    } {sc.loop_unroll_factor = 2 : i64, sc.parallel_access}
    %dma_start3A_219 = arith.constant 1 : i32
    %dma_start3A_220 = arith.constant 0 : i32
    %dma_start3A_221 = arith.constant 0 : i32
    %dma_start3A_222 = tpu.memref_slice %arg8[%dma_start3A_219, %dma_start3A_220, %dma_start3A_221] : memref<3x128x128xf32, #tpu.memory_space<vmem>> -> memref<1x128x128xf32, #tpu.memory_space<vmem>>
    %dma_start3A_223 = tpu.memref_squeeze %dma_start3A_222 : memref<1x128x128xf32, #tpu.memory_space<vmem>> -> memref<128x128xf32, #tpu.memory_space<vmem>>
    %dma_start3A_224 = arith.constant 128 : i32
    %dma_start3A_225 = tpu.memref_slice %arg5[%add3A_178, %dma_start3A_224] : memref<16384x256xf32, #tpu.memory_space<hbm>> -> memref<128x128xf32, #tpu.memory_space<hbm>>
    %dma_start3A_226 = arith.constant 128 : i32
    %dma_start3A_227 = tpu.memref_slice %arg5[%add3A_178, %dma_start3A_226] : memref<16384x256xf32, #tpu.memory_space<hbm>> -> memref<128x128xf32, #tpu.memory_space<hbm>>
    %dma_start3A_228 = arith.constant 0 : i32
    %dma_start3A_229 = arith.constant 0 : i32
    %dma_start3A_230 = tpu.memref_slice %arg8[%dma_start3A_219, %dma_start3A_228, %dma_start3A_229] : memref<3x128x128xf32, #tpu.memory_space<vmem>> -> memref<1x128x128xf32, #tpu.memory_space<vmem>>
    %dma_start3A_231 = tpu.memref_squeeze %dma_start3A_230 : memref<1x128x128xf32, #tpu.memory_space<vmem>> -> memref<128x128xf32, #tpu.memory_space<vmem>>
    tpu.enqueue_dma source(%dma_start3A_231 : memref<128x128xf32, #tpu.memory_space<vmem>>) target(%dma_start3A_227 : memref<128x128xf32, #tpu.memory_space<hbm>>) target_semaphore(%arg13 : memref<!tpu.dma_semaphore, #tpu.memory_space<semaphore_mem>>)
    %add3A_232 = arith.constant 256 : i32
    %add3A_233 = arith.addi %mul3A_2, %add3A_232 : i32
    %dma_wait3A_234 = arith.constant 2 : i32
    %dma_wait3A_235 = arith.constant 2 : i32
    %dma_wait3A_236 = arith.constant 0 : i32
    %dma_wait3A_237 = arith.constant 0 : i32
    %dma_wait3A_238 = tpu.memref_slice %arg7[%dma_wait3A_235, %dma_wait3A_236, %dma_wait3A_237] : memref<3x128x128xf32, #tpu.memory_space<vmem>> -> memref<1x128x128xf32, #tpu.memory_space<vmem>>
    %dma_wait3A_239 = tpu.memref_squeeze %dma_wait3A_238 : memref<1x128x128xf32, #tpu.memory_space<vmem>> -> memref<128x128xf32, #tpu.memory_space<vmem>>
    %dma_wait3A_240 = arith.constant 0 : i32
    %dma_wait3A_241 = tpu.memref_slice %arg6[%dma_wait3A_234, %dma_wait3A_240] : memref<4x128xi32, #tpu.memory_space<vmem>> -> memref<1x128xi32, #tpu.memory_space<vmem>>
    %dma_wait3A_242 = tpu.memref_squeeze %dma_wait3A_241 : memref<1x128xi32, #tpu.memory_space<vmem>> -> memref<128xi32, #tpu.memory_space<vmem>>
    %dma_wait3A_243 = arith.constant 0 : i32
    %dma_wait3A_244 = arith.constant 0 : i32
    %dma_wait3A_245 = tpu.memref_slice %arg3[%dma_wait3A_243, %dma_wait3A_244] : memref<100000x128xf32, #tpu.memory_space<hbm>> -> memref<100000x128xf32, #tpu.memory_space<hbm>>
    tpu.wait_indirect_dma semaphore(%arg11 : memref<!tpu.dma_semaphore, #tpu.memory_space<semaphore_mem>>) src(%dma_wait3A_245 : memref<100000x128xf32, #tpu.memory_space<hbm>>) dst(%dma_wait3A_239 : memref<128x128xf32, #tpu.memory_space<vmem>>)
    %dma_start3A_246 = arith.constant 2 : i32
    %dma_start3A_247 = arith.constant 0 : i32
    %dma_start3A_248 = arith.constant 0 : i32
    %dma_start3A_249 = tpu.memref_slice %arg7[%dma_start3A_246, %dma_start3A_247, %dma_start3A_248] : memref<3x128x128xf32, #tpu.memory_space<vmem>> -> memref<1x128x128xf32, #tpu.memory_space<vmem>>
    %dma_start3A_250 = tpu.memref_squeeze %dma_start3A_249 : memref<1x128x128xf32, #tpu.memory_space<vmem>> -> memref<128x128xf32, #tpu.memory_space<vmem>>
    %dma_start3A_251 = arith.constant 0 : i32
    %dma_start3A_252 = tpu.memref_slice %arg5[%add3A_233, %dma_start3A_251] : memref<16384x256xf32, #tpu.memory_space<hbm>> -> memref<128x128xf32, #tpu.memory_space<hbm>>
    %dma_start3A_253 = arith.constant 0 : i32
    %dma_start3A_254 = tpu.memref_slice %arg5[%add3A_233, %dma_start3A_253] : memref<16384x256xf32, #tpu.memory_space<hbm>> -> memref<128x128xf32, #tpu.memory_space<hbm>>
    %dma_start3A_255 = arith.constant 0 : i32
    %dma_start3A_256 = arith.constant 0 : i32
    %dma_start3A_257 = tpu.memref_slice %arg7[%dma_start3A_246, %dma_start3A_255, %dma_start3A_256] : memref<3x128x128xf32, #tpu.memory_space<vmem>> -> memref<1x128x128xf32, #tpu.memory_space<vmem>>
    %dma_start3A_258 = tpu.memref_squeeze %dma_start3A_257 : memref<1x128x128xf32, #tpu.memory_space<vmem>> -> memref<128x128xf32, #tpu.memory_space<vmem>>
    tpu.enqueue_dma source(%dma_start3A_258 : memref<128x128xf32, #tpu.memory_space<vmem>>) target(%dma_start3A_254 : memref<128x128xf32, #tpu.memory_space<hbm>>) target_semaphore(%arg14 : memref<!tpu.dma_semaphore, #tpu.memory_space<semaphore_mem>>)
    %dma_wait3A_259 = arith.constant 2 : i32
    %dma_wait3A_260 = arith.constant 2 : i32
    %dma_wait3A_261 = arith.constant 0 : i32
    %dma_wait3A_262 = arith.constant 0 : i32
    %dma_wait3A_263 = tpu.memref_slice %arg8[%dma_wait3A_260, %dma_wait3A_261, %dma_wait3A_262] : memref<3x128x128xf32, #tpu.memory_space<vmem>> -> memref<1x128x128xf32, #tpu.memory_space<vmem>>
    %dma_wait3A_264 = tpu.memref_squeeze %dma_wait3A_263 : memref<1x128x128xf32, #tpu.memory_space<vmem>> -> memref<128x128xf32, #tpu.memory_space<vmem>>
    %dma_wait3A_265 = arith.constant 0 : i32
    %dma_wait3A_266 = tpu.memref_slice %arg6[%dma_wait3A_259, %dma_wait3A_265] : memref<4x128xi32, #tpu.memory_space<vmem>> -> memref<1x128xi32, #tpu.memory_space<vmem>>
    %dma_wait3A_267 = tpu.memref_squeeze %dma_wait3A_266 : memref<1x128xi32, #tpu.memory_space<vmem>> -> memref<128xi32, #tpu.memory_space<vmem>>
    %dma_wait3A_268 = arith.constant 0 : i32
    %dma_wait3A_269 = arith.constant 0 : i32
    %dma_wait3A_270 = tpu.memref_slice %arg4[%dma_wait3A_268, %dma_wait3A_269] : memref<100000x128xf32, #tpu.memory_space<hbm>> -> memref<100000x128xf32, #tpu.memory_space<hbm>>
    tpu.wait_indirect_dma semaphore(%arg11 : memref<!tpu.dma_semaphore, #tpu.memory_space<semaphore_mem>>) src(%dma_wait3A_270 : memref<100000x128xf32, #tpu.memory_space<hbm>>) dst(%dma_wait3A_264 : memref<128x128xf32, #tpu.memory_space<vmem>>)
    %parallel_loop3A_271 = arith.constant 0 : i32
    %parallel_loop3A_272 = arith.constant 128 : i32
    %parallel_loop3A_273 = arith.constant 1 : i32
    scf.for %parallel_loop3A_420 = %parallel_loop3A_271 to %parallel_loop3A_272 step %parallel_loop3A_273  : i32 {
      %parallel_loop3A_421 = arith.constant 2 : i32
      %parallel_loop3A_422 = arith.index_cast %parallel_loop3A_421 : i32 to index
      %parallel_loop3A_423 = arith.index_cast %parallel_loop3A_420 : i32 to index
      %parallel_loop3A_424 = arith.constant 0 : index
      %parallel_loop3A_425 = tpu.vector_load %arg8[%parallel_loop3A_422, %parallel_loop3A_423, %parallel_loop3A_424] {strides = array<i32>} : memref<3x128x128xf32, #tpu.memory_space<vmem>>, vector<1x1x16xf32>,
      %parallel_loop3A_426 = vector.shape_cast %parallel_loop3A_425 : vector<1x1x16xf32> to vector<16xf32>
      %parallel_loop3A_427 = arith.constant 0.000000e+00 : f32
      %parallel_loop3A_428 = vector.broadcast %parallel_loop3A_427 : f32 to vector<16xf32>
      %parallel_loop3A_429 = arith.cmpf ogt, %parallel_loop3A_426, %parallel_loop3A_428 : vector<16xf32>
      %parallel_loop3A_430 = arith.constant 1.000000e+00 : f32
      %parallel_loop3A_431 = vector.broadcast %parallel_loop3A_430 : f32 to vector<16xf32>
      %parallel_loop3A_432 = arith.addf %parallel_loop3A_426, %parallel_loop3A_431 : vector<16xf32>
      %parallel_loop3A_433 = math.exp %parallel_loop3A_426 : vector<16xf32>
      %parallel_loop3A_434 = arith.select %parallel_loop3A_429, %parallel_loop3A_432, %parallel_loop3A_433 : vector<16xi1>, vector<16xf32>
      %parallel_loop3A_435 = arith.constant 2 : i32
      %parallel_loop3A_436 = arith.index_cast %parallel_loop3A_435 : i32 to index
      %parallel_loop3A_437 = arith.index_cast %parallel_loop3A_420 : i32 to index
      %parallel_loop3A_438 = arith.constant 0 : index
      %parallel_loop3A_439 = tpu.vector_load %arg8[%parallel_loop3A_436, %parallel_loop3A_437, %parallel_loop3A_438] {strides = array<i32>} : memref<3x128x128xf32, #tpu.memory_space<vmem>>, vector<1x1x16xf32>,
      %parallel_loop3A_440 = vector.shape_cast %parallel_loop3A_439 : vector<1x1x16xf32> to vector<16xf32>
      %parallel_loop3A_441 = vector.shape_cast %parallel_loop3A_434 : vector<16xf32> to vector<1x1x16xf32>
      tpu.vector_store %arg8[%parallel_loop3A_436, %parallel_loop3A_437, %parallel_loop3A_438], %parallel_loop3A_441 {strides = array<i32>} : memref<3x128x128xf32, #tpu.memory_space<vmem>>, vector<1x1x16xf32>,
      %parallel_loop3A_442 = arith.constant 2 : i32
      %parallel_loop3A_443 = arith.index_cast %parallel_loop3A_442 : i32 to index
      %parallel_loop3A_444 = arith.index_cast %parallel_loop3A_420 : i32 to index
      %parallel_loop3A_445 = arith.constant 16 : index
      %parallel_loop3A_446 = tpu.vector_load %arg8[%parallel_loop3A_443, %parallel_loop3A_444, %parallel_loop3A_445] {strides = array<i32>} : memref<3x128x128xf32, #tpu.memory_space<vmem>>, vector<1x1x16xf32>,
      %parallel_loop3A_447 = vector.shape_cast %parallel_loop3A_446 : vector<1x1x16xf32> to vector<16xf32>
      %parallel_loop3A_448 = arith.constant 0.000000e+00 : f32
      %parallel_loop3A_449 = vector.broadcast %parallel_loop3A_448 : f32 to vector<16xf32>
      %parallel_loop3A_450 = arith.cmpf ogt, %parallel_loop3A_447, %parallel_loop3A_449 : vector<16xf32>
      %parallel_loop3A_451 = arith.constant 1.000000e+00 : f32
      %parallel_loop3A_452 = vector.broadcast %parallel_loop3A_451 : f32 to vector<16xf32>
      %parallel_loop3A_453 = arith.addf %parallel_loop3A_447, %parallel_loop3A_452 : vector<16xf32>
      %parallel_loop3A_454 = math.exp %parallel_loop3A_447 : vector<16xf32>
      %parallel_loop3A_455 = arith.select %parallel_loop3A_450, %parallel_loop3A_453, %parallel_loop3A_454 : vector<16xi1>, vector<16xf32>
      %parallel_loop3A_456 = arith.constant 2 : i32
      %parallel_loop3A_457 = arith.index_cast %parallel_loop3A_456 : i32 to index
      %parallel_loop3A_458 = arith.index_cast %parallel_loop3A_420 : i32 to index
      %parallel_loop3A_459 = arith.constant 16 : index
      %parallel_loop3A_460 = tpu.vector_load %arg8[%parallel_loop3A_457, %parallel_loop3A_458, %parallel_loop3A_459] {strides = array<i32>} : memref<3x128x128xf32, #tpu.memory_space<vmem>>, vector<1x1x16xf32>,
      %parallel_loop3A_461 = vector.shape_cast %parallel_loop3A_460 : vector<1x1x16xf32> to vector<16xf32>
      %parallel_loop3A_462 = vector.shape_cast %parallel_loop3A_455 : vector<16xf32> to vector<1x1x16xf32>
      tpu.vector_store %arg8[%parallel_loop3A_457, %parallel_loop3A_458, %parallel_loop3A_459], %parallel_loop3A_462 {strides = array<i32>} : memref<3x128x128xf32, #tpu.memory_space<vmem>>, vector<1x1x16xf32>,
      %parallel_loop3A_463 = arith.constant 2 : i32
      %parallel_loop3A_464 = arith.index_cast %parallel_loop3A_463 : i32 to index
      %parallel_loop3A_465 = arith.index_cast %parallel_loop3A_420 : i32 to index
      %parallel_loop3A_466 = arith.constant 32 : index
      %parallel_loop3A_467 = tpu.vector_load %arg8[%parallel_loop3A_464, %parallel_loop3A_465, %parallel_loop3A_466] {strides = array<i32>} : memref<3x128x128xf32, #tpu.memory_space<vmem>>, vector<1x1x16xf32>,
      %parallel_loop3A_468 = vector.shape_cast %parallel_loop3A_467 : vector<1x1x16xf32> to vector<16xf32>
      %parallel_loop3A_469 = arith.constant 0.000000e+00 : f32
      %parallel_loop3A_470 = vector.broadcast %parallel_loop3A_469 : f32 to vector<16xf32>
      %parallel_loop3A_471 = arith.cmpf ogt, %parallel_loop3A_468, %parallel_loop3A_470 : vector<16xf32>
      %parallel_loop3A_472 = arith.constant 1.000000e+00 : f32
      %parallel_loop3A_473 = vector.broadcast %parallel_loop3A_472 : f32 to vector<16xf32>
      %parallel_loop3A_474 = arith.addf %parallel_loop3A_468, %parallel_loop3A_473 : vector<16xf32>
      %parallel_loop3A_475 = math.exp %parallel_loop3A_468 : vector<16xf32>
      %parallel_loop3A_476 = arith.select %parallel_loop3A_471, %parallel_loop3A_474, %parallel_loop3A_475 : vector<16xi1>, vector<16xf32>
      %parallel_loop3A_477 = arith.constant 2 : i32
      %parallel_loop3A_478 = arith.index_cast %parallel_loop3A_477 : i32 to index
      %parallel_loop3A_479 = arith.index_cast %parallel_loop3A_420 : i32 to index
      %parallel_loop3A_480 = arith.constant 32 : index
      %parallel_loop3A_481 = tpu.vector_load %arg8[%parallel_loop3A_478, %parallel_loop3A_479, %parallel_loop3A_480] {strides = array<i32>} : memref<3x128x128xf32, #tpu.memory_space<vmem>>, vector<1x1x16xf32>,
      %parallel_loop3A_482 = vector.shape_cast %parallel_loop3A_481 : vector<1x1x16xf32> to vector<16xf32>
      %parallel_loop3A_483 = vector.shape_cast %parallel_loop3A_476 : vector<16xf32> to vector<1x1x16xf32>
      tpu.vector_store %arg8[%parallel_loop3A_478, %parallel_loop3A_479, %parallel_loop3A_480], %parallel_loop3A_483 {strides = array<i32>} : memref<3x128x128xf32, #tpu.memory_space<vmem>>, vector<1x1x16xf32>,
      %parallel_loop3A_484 = arith.constant 2 : i32
      %parallel_loop3A_485 = arith.index_cast %parallel_loop3A_484 : i32 to index
      %parallel_loop3A_486 = arith.index_cast %parallel_loop3A_420 : i32 to index
      %parallel_loop3A_487 = arith.constant 48 : index
      %parallel_loop3A_488 = tpu.vector_load %arg8[%parallel_loop3A_485, %parallel_loop3A_486, %parallel_loop3A_487] {strides = array<i32>} : memref<3x128x128xf32, #tpu.memory_space<vmem>>, vector<1x1x16xf32>,
      %parallel_loop3A_489 = vector.shape_cast %parallel_loop3A_488 : vector<1x1x16xf32> to vector<16xf32>
      %parallel_loop3A_490 = arith.constant 0.000000e+00 : f32
      %parallel_loop3A_491 = vector.broadcast %parallel_loop3A_490 : f32 to vector<16xf32>
      %parallel_loop3A_492 = arith.cmpf ogt, %parallel_loop3A_489, %parallel_loop3A_491 : vector<16xf32>
      %parallel_loop3A_493 = arith.constant 1.000000e+00 : f32
      %parallel_loop3A_494 = vector.broadcast %parallel_loop3A_493 : f32 to vector<16xf32>
      %parallel_loop3A_495 = arith.addf %parallel_loop3A_489, %parallel_loop3A_494 : vector<16xf32>
      %parallel_loop3A_496 = math.exp %parallel_loop3A_489 : vector<16xf32>
      %parallel_loop3A_497 = arith.select %parallel_loop3A_492, %parallel_loop3A_495, %parallel_loop3A_496 : vector<16xi1>, vector<16xf32>
      %parallel_loop3A_498 = arith.constant 2 : i32
      %parallel_loop3A_499 = arith.index_cast %parallel_loop3A_498 : i32 to index
      %parallel_loop3A_500 = arith.index_cast %parallel_loop3A_420 : i32 to index
      %parallel_loop3A_501 = arith.constant 48 : index
      %parallel_loop3A_502 = tpu.vector_load %arg8[%parallel_loop3A_499, %parallel_loop3A_500, %parallel_loop3A_501] {strides = array<i32>} : memref<3x128x128xf32, #tpu.memory_space<vmem>>, vector<1x1x16xf32>,
      %parallel_loop3A_503 = vector.shape_cast %parallel_loop3A_502 : vector<1x1x16xf32> to vector<16xf32>
      %parallel_loop3A_504 = vector.shape_cast %parallel_loop3A_497 : vector<16xf32> to vector<1x1x16xf32>
      tpu.vector_store %arg8[%parallel_loop3A_499, %parallel_loop3A_500, %parallel_loop3A_501], %parallel_loop3A_504 {strides = array<i32>} : memref<3x128x128xf32, #tpu.memory_space<vmem>>, vector<1x1x16xf32>,
      %parallel_loop3A_505 = arith.constant 2 : i32
      %parallel_loop3A_506 = arith.index_cast %parallel_loop3A_505 : i32 to index
      %parallel_loop3A_507 = arith.index_cast %parallel_loop3A_420 : i32 to index
      %parallel_loop3A_508 = arith.constant 64 : index
      %parallel_loop3A_509 = tpu.vector_load %arg8[%parallel_loop3A_506, %parallel_loop3A_507, %parallel_loop3A_508] {strides = array<i32>} : memref<3x128x128xf32, #tpu.memory_space<vmem>>, vector<1x1x16xf32>,
      %parallel_loop3A_510 = vector.shape_cast %parallel_loop3A_509 : vector<1x1x16xf32> to vector<16xf32>
      %parallel_loop3A_511 = arith.constant 0.000000e+00 : f32
      %parallel_loop3A_512 = vector.broadcast %parallel_loop3A_511 : f32 to vector<16xf32>
      %parallel_loop3A_513 = arith.cmpf ogt, %parallel_loop3A_510, %parallel_loop3A_512 : vector<16xf32>
      %parallel_loop3A_514 = arith.constant 1.000000e+00 : f32
      %parallel_loop3A_515 = vector.broadcast %parallel_loop3A_514 : f32 to vector<16xf32>
      %parallel_loop3A_516 = arith.addf %parallel_loop3A_510, %parallel_loop3A_515 : vector<16xf32>
      %parallel_loop3A_517 = math.exp %parallel_loop3A_510 : vector<16xf32>
      %parallel_loop3A_518 = arith.select %parallel_loop3A_513, %parallel_loop3A_516, %parallel_loop3A_517 : vector<16xi1>, vector<16xf32>
      %parallel_loop3A_519 = arith.constant 2 : i32
      %parallel_loop3A_520 = arith.index_cast %parallel_loop3A_519 : i32 to index
      %parallel_loop3A_521 = arith.index_cast %parallel_loop3A_420 : i32 to index
      %parallel_loop3A_522 = arith.constant 64 : index
      %parallel_loop3A_523 = tpu.vector_load %arg8[%parallel_loop3A_520, %parallel_loop3A_521, %parallel_loop3A_522] {strides = array<i32>} : memref<3x128x128xf32, #tpu.memory_space<vmem>>, vector<1x1x16xf32>,
      %parallel_loop3A_524 = vector.shape_cast %parallel_loop3A_523 : vector<1x1x16xf32> to vector<16xf32>
      %parallel_loop3A_525 = vector.shape_cast %parallel_loop3A_518 : vector<16xf32> to vector<1x1x16xf32>
      tpu.vector_store %arg8[%parallel_loop3A_520, %parallel_loop3A_521, %parallel_loop3A_522], %parallel_loop3A_525 {strides = array<i32>} : memref<3x128x128xf32, #tpu.memory_space<vmem>>, vector<1x1x16xf32>,
      %parallel_loop3A_526 = arith.constant 2 : i32
      %parallel_loop3A_527 = arith.index_cast %parallel_loop3A_526 : i32 to index
      %parallel_loop3A_528 = arith.index_cast %parallel_loop3A_420 : i32 to index
      %parallel_loop3A_529 = arith.constant 80 : index
      %parallel_loop3A_530 = tpu.vector_load %arg8[%parallel_loop3A_527, %parallel_loop3A_528, %parallel_loop3A_529] {strides = array<i32>} : memref<3x128x128xf32, #tpu.memory_space<vmem>>, vector<1x1x16xf32>,
      %parallel_loop3A_531 = vector.shape_cast %parallel_loop3A_530 : vector<1x1x16xf32> to vector<16xf32>
      %parallel_loop3A_532 = arith.constant 0.000000e+00 : f32
      %parallel_loop3A_533 = vector.broadcast %parallel_loop3A_532 : f32 to vector<16xf32>
      %parallel_loop3A_534 = arith.cmpf ogt, %parallel_loop3A_531, %parallel_loop3A_533 : vector<16xf32>
      %parallel_loop3A_535 = arith.constant 1.000000e+00 : f32
      %parallel_loop3A_536 = vector.broadcast %parallel_loop3A_535 : f32 to vector<16xf32>
      %parallel_loop3A_537 = arith.addf %parallel_loop3A_531, %parallel_loop3A_536 : vector<16xf32>
      %parallel_loop3A_538 = math.exp %parallel_loop3A_531 : vector<16xf32>
      %parallel_loop3A_539 = arith.select %parallel_loop3A_534, %parallel_loop3A_537, %parallel_loop3A_538 : vector<16xi1>, vector<16xf32>
      %parallel_loop3A_540 = arith.constant 2 : i32
      %parallel_loop3A_541 = arith.index_cast %parallel_loop3A_540 : i32 to index
      %parallel_loop3A_542 = arith.index_cast %parallel_loop3A_420 : i32 to index
      %parallel_loop3A_543 = arith.constant 80 : index
      %parallel_loop3A_544 = tpu.vector_load %arg8[%parallel_loop3A_541, %parallel_loop3A_542, %parallel_loop3A_543] {strides = array<i32>} : memref<3x128x128xf32, #tpu.memory_space<vmem>>, vector<1x1x16xf32>,
      %parallel_loop3A_545 = vector.shape_cast %parallel_loop3A_544 : vector<1x1x16xf32> to vector<16xf32>
      %parallel_loop3A_546 = vector.shape_cast %parallel_loop3A_539 : vector<16xf32> to vector<1x1x16xf32>
      tpu.vector_store %arg8[%parallel_loop3A_541, %parallel_loop3A_542, %parallel_loop3A_543], %parallel_loop3A_546 {strides = array<i32>} : memref<3x128x128xf32, #tpu.memory_space<vmem>>, vector<1x1x16xf32>,
      %parallel_loop3A_547 = arith.constant 2 : i32
      %parallel_loop3A_548 = arith.index_cast %parallel_loop3A_547 : i32 to index
      %parallel_loop3A_549 = arith.index_cast %parallel_loop3A_420 : i32 to index
      %parallel_loop3A_550 = arith.constant 96 : index
      %parallel_loop3A_551 = tpu.vector_load %arg8[%parallel_loop3A_548, %parallel_loop3A_549, %parallel_loop3A_550] {strides = array<i32>} : memref<3x128x128xf32, #tpu.memory_space<vmem>>, vector<1x1x16xf32>,
      %parallel_loop3A_552 = vector.shape_cast %parallel_loop3A_551 : vector<1x1x16xf32> to vector<16xf32>
      %parallel_loop3A_553 = arith.constant 0.000000e+00 : f32
      %parallel_loop3A_554 = vector.broadcast %parallel_loop3A_553 : f32 to vector<16xf32>
      %parallel_loop3A_555 = arith.cmpf ogt, %parallel_loop3A_552, %parallel_loop3A_554 : vector<16xf32>
      %parallel_loop3A_556 = arith.constant 1.000000e+00 : f32
      %parallel_loop3A_557 = vector.broadcast %parallel_loop3A_556 : f32 to vector<16xf32>
      %parallel_loop3A_558 = arith.addf %parallel_loop3A_552, %parallel_loop3A_557 : vector<16xf32>
      %parallel_loop3A_559 = math.exp %parallel_loop3A_552 : vector<16xf32>
      %parallel_loop3A_560 = arith.select %parallel_loop3A_555, %parallel_loop3A_558, %parallel_loop3A_559 : vector<16xi1>, vector<16xf32>
      %parallel_loop3A_561 = arith.constant 2 : i32
      %parallel_loop3A_562 = arith.index_cast %parallel_loop3A_561 : i32 to index
      %parallel_loop3A_563 = arith.index_cast %parallel_loop3A_420 : i32 to index
      %parallel_loop3A_564 = arith.constant 96 : index
      %parallel_loop3A_565 = tpu.vector_load %arg8[%parallel_loop3A_562, %parallel_loop3A_563, %parallel_loop3A_564] {strides = array<i32>} : memref<3x128x128xf32, #tpu.memory_space<vmem>>, vector<1x1x16xf32>,
      %parallel_loop3A_566 = vector.shape_cast %parallel_loop3A_565 : vector<1x1x16xf32> to vector<16xf32>
      %parallel_loop3A_567 = vector.shape_cast %parallel_loop3A_560 : vector<16xf32> to vector<1x1x16xf32>
      tpu.vector_store %arg8[%parallel_loop3A_562, %parallel_loop3A_563, %parallel_loop3A_564], %parallel_loop3A_567 {strides = array<i32>} : memref<3x128x128xf32, #tpu.memory_space<vmem>>, vector<1x1x16xf32>,
      %parallel_loop3A_568 = arith.constant 2 : i32
      %parallel_loop3A_569 = arith.index_cast %parallel_loop3A_568 : i32 to index
      %parallel_loop3A_570 = arith.index_cast %parallel_loop3A_420 : i32 to index
      %parallel_loop3A_571 = arith.constant 112 : index
      %parallel_loop3A_572 = tpu.vector_load %arg8[%parallel_loop3A_569, %parallel_loop3A_570, %parallel_loop3A_571] {strides = array<i32>} : memref<3x128x128xf32, #tpu.memory_space<vmem>>, vector<1x1x16xf32>,
      %parallel_loop3A_573 = vector.shape_cast %parallel_loop3A_572 : vector<1x1x16xf32> to vector<16xf32>
      %parallel_loop3A_574 = arith.constant 0.000000e+00 : f32
      %parallel_loop3A_575 = vector.broadcast %parallel_loop3A_574 : f32 to vector<16xf32>
      %parallel_loop3A_576 = arith.cmpf ogt, %parallel_loop3A_573, %parallel_loop3A_575 : vector<16xf32>
      %parallel_loop3A_577 = arith.constant 1.000000e+00 : f32
      %parallel_loop3A_578 = vector.broadcast %parallel_loop3A_577 : f32 to vector<16xf32>
      %parallel_loop3A_579 = arith.addf %parallel_loop3A_573, %parallel_loop3A_578 : vector<16xf32>
      %parallel_loop3A_580 = math.exp %parallel_loop3A_573 : vector<16xf32>
      %parallel_loop3A_581 = arith.select %parallel_loop3A_576, %parallel_loop3A_579, %parallel_loop3A_580 : vector<16xi1>, vector<16xf32>
      %parallel_loop3A_582 = arith.constant 2 : i32
      %parallel_loop3A_583 = arith.index_cast %parallel_loop3A_582 : i32 to index
      %parallel_loop3A_584 = arith.index_cast %parallel_loop3A_420 : i32 to index
      %parallel_loop3A_585 = arith.constant 112 : index
      %parallel_loop3A_586 = tpu.vector_load %arg8[%parallel_loop3A_583, %parallel_loop3A_584, %parallel_loop3A_585] {strides = array<i32>} : memref<3x128x128xf32, #tpu.memory_space<vmem>>, vector<1x1x16xf32>,
      %parallel_loop3A_587 = vector.shape_cast %parallel_loop3A_586 : vector<1x1x16xf32> to vector<16xf32>
      %parallel_loop3A_588 = vector.shape_cast %parallel_loop3A_581 : vector<16xf32> to vector<1x1x16xf32>
      tpu.vector_store %arg8[%parallel_loop3A_583, %parallel_loop3A_584, %parallel_loop3A_585], %parallel_loop3A_588 {strides = array<i32>} : memref<3x128x128xf32, #tpu.memory_space<vmem>>, vector<1x1x16xf32>,
    } {sc.loop_unroll_factor = 2 : i64, sc.parallel_access}
    %dma_start3A_274 = arith.constant 2 : i32
    %dma_start3A_275 = arith.constant 0 : i32
    %dma_start3A_276 = arith.constant 0 : i32
    %dma_start3A_277 = tpu.memref_slice %arg8[%dma_start3A_274, %dma_start3A_275, %dma_start3A_276] : memref<3x128x128xf32, #tpu.memory_space<vmem>> -> memref<1x128x128xf32, #tpu.memory_space<vmem>>
    %dma_start3A_278 = tpu.memref_squeeze %dma_start3A_277 : memref<1x128x128xf32, #tpu.memory_space<vmem>> -> memref<128x128xf32, #tpu.memory_space<vmem>>
    %dma_start3A_279 = arith.constant 128 : i32
    %dma_start3A_280 = tpu.memref_slice %arg5[%add3A_233, %dma_start3A_279] : memref<16384x256xf32, #tpu.memory_space<hbm>> -> memref<128x128xf32, #tpu.memory_space<hbm>>
    %dma_start3A_281 = arith.constant 128 : i32
    %dma_start3A_282 = tpu.memref_slice %arg5[%add3A_233, %dma_start3A_281] : memref<16384x256xf32, #tpu.memory_space<hbm>> -> memref<128x128xf32, #tpu.memory_space<hbm>>
    %dma_start3A_283 = arith.constant 0 : i32
    %dma_start3A_284 = arith.constant 0 : i32
    %dma_start3A_285 = tpu.memref_slice %arg8[%dma_start3A_274, %dma_start3A_283, %dma_start3A_284] : memref<3x128x128xf32, #tpu.memory_space<vmem>> -> memref<1x128x128xf32, #tpu.memory_space<vmem>>
    %dma_start3A_286 = tpu.memref_squeeze %dma_start3A_285 : memref<1x128x128xf32, #tpu.memory_space<vmem>> -> memref<128x128xf32, #tpu.memory_space<vmem>>
    tpu.enqueue_dma source(%dma_start3A_286 : memref<128x128xf32, #tpu.memory_space<vmem>>) target(%dma_start3A_282 : memref<128x128xf32, #tpu.memory_space<hbm>>) target_semaphore(%arg14 : memref<!tpu.dma_semaphore, #tpu.memory_space<semaphore_mem>>)
    %add3A_287 = arith.constant 384 : i32
    %add3A_288 = arith.addi %mul3A_2, %add3A_287 : i32
    %dma_wait3A_289 = arith.constant 3 : i32
    %dma_wait3A_290 = arith.constant 0 : i32
    %dma_wait3A_291 = arith.constant 0 : i32
    %dma_wait3A_292 = arith.constant 0 : i32
    %dma_wait3A_293 = tpu.memref_slice %arg7[%dma_wait3A_290, %dma_wait3A_291, %dma_wait3A_292] : memref<3x128x128xf32, #tpu.memory_space<vmem>> -> memref<1x128x128xf32, #tpu.memory_space<vmem>>
    %dma_wait3A_294 = tpu.memref_squeeze %dma_wait3A_293 : memref<1x128x128xf32, #tpu.memory_space<vmem>> -> memref<128x128xf32, #tpu.memory_space<vmem>>
    %dma_wait3A_295 = arith.constant 0 : i32
    %dma_wait3A_296 = tpu.memref_slice %arg6[%dma_wait3A_289, %dma_wait3A_295] : memref<4x128xi32, #tpu.memory_space<vmem>> -> memref<1x128xi32, #tpu.memory_space<vmem>>
    %dma_wait3A_297 = tpu.memref_squeeze %dma_wait3A_296 : memref<1x128xi32, #tpu.memory_space<vmem>> -> memref<128xi32, #tpu.memory_space<vmem>>
    %dma_wait3A_298 = arith.constant 0 : i32
    %dma_wait3A_299 = arith.constant 0 : i32
    %dma_wait3A_300 = tpu.memref_slice %arg3[%dma_wait3A_298, %dma_wait3A_299] : memref<100000x128xf32, #tpu.memory_space<hbm>> -> memref<100000x128xf32, #tpu.memory_space<hbm>>
    tpu.wait_indirect_dma semaphore(%arg9 : memref<!tpu.dma_semaphore, #tpu.memory_space<semaphore_mem>>) src(%dma_wait3A_300 : memref<100000x128xf32, #tpu.memory_space<hbm>>) dst(%dma_wait3A_294 : memref<128x128xf32, #tpu.memory_space<vmem>>)
    %dma_start3A_301 = arith.constant 0 : i32
    %dma_start3A_302 = arith.constant 0 : i32
    %dma_start3A_303 = arith.constant 0 : i32
    %dma_start3A_304 = tpu.memref_slice %arg7[%dma_start3A_301, %dma_start3A_302, %dma_start3A_303] : memref<3x128x128xf32, #tpu.memory_space<vmem>> -> memref<1x128x128xf32, #tpu.memory_space<vmem>>
    %dma_start3A_305 = tpu.memref_squeeze %dma_start3A_304 : memref<1x128x128xf32, #tpu.memory_space<vmem>> -> memref<128x128xf32, #tpu.memory_space<vmem>>
    %dma_start3A_306 = arith.constant 0 : i32
    %dma_start3A_307 = tpu.memref_slice %arg5[%add3A_288, %dma_start3A_306] : memref<16384x256xf32, #tpu.memory_space<hbm>> -> memref<128x128xf32, #tpu.memory_space<hbm>>
    %dma_start3A_308 = arith.constant 0 : i32
    %dma_start3A_309 = tpu.memref_slice %arg5[%add3A_288, %dma_start3A_308] : memref<16384x256xf32, #tpu.memory_space<hbm>> -> memref<128x128xf32, #tpu.memory_space<hbm>>
    %dma_start3A_310 = arith.constant 0 : i32
    %dma_start3A_311 = arith.constant 0 : i32
    %dma_start3A_312 = tpu.memref_slice %arg7[%dma_start3A_301, %dma_start3A_310, %dma_start3A_311] : memref<3x128x128xf32, #tpu.memory_space<vmem>> -> memref<1x128x128xf32, #tpu.memory_space<vmem>>
    %dma_start3A_313 = tpu.memref_squeeze %dma_start3A_312 : memref<1x128x128xf32, #tpu.memory_space<vmem>> -> memref<128x128xf32, #tpu.memory_space<vmem>>
    tpu.enqueue_dma source(%dma_start3A_313 : memref<128x128xf32, #tpu.memory_space<vmem>>) target(%dma_start3A_309 : memref<128x128xf32, #tpu.memory_space<hbm>>) target_semaphore(%arg12 : memref<!tpu.dma_semaphore, #tpu.memory_space<semaphore_mem>>)
    %dma_wait3A_314 = arith.constant 3 : i32
    %dma_wait3A_315 = arith.constant 0 : i32
    %dma_wait3A_316 = arith.constant 0 : i32
    %dma_wait3A_317 = arith.constant 0 : i32
    %dma_wait3A_318 = tpu.memref_slice %arg8[%dma_wait3A_315, %dma_wait3A_316, %dma_wait3A_317] : memref<3x128x128xf32, #tpu.memory_space<vmem>> -> memref<1x128x128xf32, #tpu.memory_space<vmem>>
    %dma_wait3A_319 = tpu.memref_squeeze %dma_wait3A_318 : memref<1x128x128xf32, #tpu.memory_space<vmem>> -> memref<128x128xf32, #tpu.memory_space<vmem>>
    %dma_wait3A_320 = arith.constant 0 : i32
    %dma_wait3A_321 = tpu.memref_slice %arg6[%dma_wait3A_314, %dma_wait3A_320] : memref<4x128xi32, #tpu.memory_space<vmem>> -> memref<1x128xi32, #tpu.memory_space<vmem>>
    %dma_wait3A_322 = tpu.memref_squeeze %dma_wait3A_321 : memref<1x128xi32, #tpu.memory_space<vmem>> -> memref<128xi32, #tpu.memory_space<vmem>>
    %dma_wait3A_323 = arith.constant 0 : i32
    %dma_wait3A_324 = arith.constant 0 : i32
    %dma_wait3A_325 = tpu.memref_slice %arg4[%dma_wait3A_323, %dma_wait3A_324] : memref<100000x128xf32, #tpu.memory_space<hbm>> -> memref<100000x128xf32, #tpu.memory_space<hbm>>
    tpu.wait_indirect_dma semaphore(%arg9 : memref<!tpu.dma_semaphore, #tpu.memory_space<semaphore_mem>>) src(%dma_wait3A_325 : memref<100000x128xf32, #tpu.memory_space<hbm>>) dst(%dma_wait3A_319 : memref<128x128xf32, #tpu.memory_space<vmem>>)
    %parallel_loop3A_326 = arith.constant 0 : i32
    %parallel_loop3A_327 = arith.constant 128 : i32
    %parallel_loop3A_328 = arith.constant 1 : i32
    scf.for %parallel_loop3A_420 = %parallel_loop3A_326 to %parallel_loop3A_327 step %parallel_loop3A_328  : i32 {
      %parallel_loop3A_421 = arith.constant 0 : i32
      %parallel_loop3A_422 = arith.index_cast %parallel_loop3A_421 : i32 to index
      %parallel_loop3A_423 = arith.index_cast %parallel_loop3A_420 : i32 to index
      %parallel_loop3A_424 = arith.constant 0 : index
      %parallel_loop3A_425 = tpu.vector_load %arg8[%parallel_loop3A_422, %parallel_loop3A_423, %parallel_loop3A_424] {strides = array<i32>} : memref<3x128x128xf32, #tpu.memory_space<vmem>>, vector<1x1x16xf32>,
      %parallel_loop3A_426 = vector.shape_cast %parallel_loop3A_425 : vector<1x1x16xf32> to vector<16xf32>
      %parallel_loop3A_427 = arith.constant 0.000000e+00 : f32
      %parallel_loop3A_428 = vector.broadcast %parallel_loop3A_427 : f32 to vector<16xf32>
      %parallel_loop3A_429 = arith.cmpf ogt, %parallel_loop3A_426, %parallel_loop3A_428 : vector<16xf32>
      %parallel_loop3A_430 = arith.constant 1.000000e+00 : f32
      %parallel_loop3A_431 = vector.broadcast %parallel_loop3A_430 : f32 to vector<16xf32>
      %parallel_loop3A_432 = arith.addf %parallel_loop3A_426, %parallel_loop3A_431 : vector<16xf32>
      %parallel_loop3A_433 = math.exp %parallel_loop3A_426 : vector<16xf32>
      %parallel_loop3A_434 = arith.select %parallel_loop3A_429, %parallel_loop3A_432, %parallel_loop3A_433 : vector<16xi1>, vector<16xf32>
      %parallel_loop3A_435 = arith.constant 0 : i32
      %parallel_loop3A_436 = arith.index_cast %parallel_loop3A_435 : i32 to index
      %parallel_loop3A_437 = arith.index_cast %parallel_loop3A_420 : i32 to index
      %parallel_loop3A_438 = arith.constant 0 : index
      %parallel_loop3A_439 = tpu.vector_load %arg8[%parallel_loop3A_436, %parallel_loop3A_437, %parallel_loop3A_438] {strides = array<i32>} : memref<3x128x128xf32, #tpu.memory_space<vmem>>, vector<1x1x16xf32>,
      %parallel_loop3A_440 = vector.shape_cast %parallel_loop3A_439 : vector<1x1x16xf32> to vector<16xf32>
      %parallel_loop3A_441 = vector.shape_cast %parallel_loop3A_434 : vector<16xf32> to vector<1x1x16xf32>
      tpu.vector_store %arg8[%parallel_loop3A_436, %parallel_loop3A_437, %parallel_loop3A_438], %parallel_loop3A_441 {strides = array<i32>} : memref<3x128x128xf32, #tpu.memory_space<vmem>>, vector<1x1x16xf32>,
      %parallel_loop3A_442 = arith.constant 0 : i32
      %parallel_loop3A_443 = arith.index_cast %parallel_loop3A_442 : i32 to index
      %parallel_loop3A_444 = arith.index_cast %parallel_loop3A_420 : i32 to index
      %parallel_loop3A_445 = arith.constant 16 : index
      %parallel_loop3A_446 = tpu.vector_load %arg8[%parallel_loop3A_443, %parallel_loop3A_444, %parallel_loop3A_445] {strides = array<i32>} : memref<3x128x128xf32, #tpu.memory_space<vmem>>, vector<1x1x16xf32>,
      %parallel_loop3A_447 = vector.shape_cast %parallel_loop3A_446 : vector<1x1x16xf32> to vector<16xf32>
      %parallel_loop3A_448 = arith.constant 0.000000e+00 : f32
      %parallel_loop3A_449 = vector.broadcast %parallel_loop3A_448 : f32 to vector<16xf32>
      %parallel_loop3A_450 = arith.cmpf ogt, %parallel_loop3A_447, %parallel_loop3A_449 : vector<16xf32>
      %parallel_loop3A_451 = arith.constant 1.000000e+00 : f32
      %parallel_loop3A_452 = vector.broadcast %parallel_loop3A_451 : f32 to vector<16xf32>
      %parallel_loop3A_453 = arith.addf %parallel_loop3A_447, %parallel_loop3A_452 : vector<16xf32>
      %parallel_loop3A_454 = math.exp %parallel_loop3A_447 : vector<16xf32>
      %parallel_loop3A_455 = arith.select %parallel_loop3A_450, %parallel_loop3A_453, %parallel_loop3A_454 : vector<16xi1>, vector<16xf32>
      %parallel_loop3A_456 = arith.constant 0 : i32
      %parallel_loop3A_457 = arith.index_cast %parallel_loop3A_456 : i32 to index
      %parallel_loop3A_458 = arith.index_cast %parallel_loop3A_420 : i32 to index
      %parallel_loop3A_459 = arith.constant 16 : index
      %parallel_loop3A_460 = tpu.vector_load %arg8[%parallel_loop3A_457, %parallel_loop3A_458, %parallel_loop3A_459] {strides = array<i32>} : memref<3x128x128xf32, #tpu.memory_space<vmem>>, vector<1x1x16xf32>,
      %parallel_loop3A_461 = vector.shape_cast %parallel_loop3A_460 : vector<1x1x16xf32> to vector<16xf32>
      %parallel_loop3A_462 = vector.shape_cast %parallel_loop3A_455 : vector<16xf32> to vector<1x1x16xf32>
      tpu.vector_store %arg8[%parallel_loop3A_457, %parallel_loop3A_458, %parallel_loop3A_459], %parallel_loop3A_462 {strides = array<i32>} : memref<3x128x128xf32, #tpu.memory_space<vmem>>, vector<1x1x16xf32>,
      %parallel_loop3A_463 = arith.constant 0 : i32
      %parallel_loop3A_464 = arith.index_cast %parallel_loop3A_463 : i32 to index
      %parallel_loop3A_465 = arith.index_cast %parallel_loop3A_420 : i32 to index
      %parallel_loop3A_466 = arith.constant 32 : index
      %parallel_loop3A_467 = tpu.vector_load %arg8[%parallel_loop3A_464, %parallel_loop3A_465, %parallel_loop3A_466] {strides = array<i32>} : memref<3x128x128xf32, #tpu.memory_space<vmem>>, vector<1x1x16xf32>,
      %parallel_loop3A_468 = vector.shape_cast %parallel_loop3A_467 : vector<1x1x16xf32> to vector<16xf32>
      %parallel_loop3A_469 = arith.constant 0.000000e+00 : f32
      %parallel_loop3A_470 = vector.broadcast %parallel_loop3A_469 : f32 to vector<16xf32>
      %parallel_loop3A_471 = arith.cmpf ogt, %parallel_loop3A_468, %parallel_loop3A_470 : vector<16xf32>
      %parallel_loop3A_472 = arith.constant 1.000000e+00 : f32
      %parallel_loop3A_473 = vector.broadcast %parallel_loop3A_472 : f32 to vector<16xf32>
      %parallel_loop3A_474 = arith.addf %parallel_loop3A_468, %parallel_loop3A_473 : vector<16xf32>
      %parallel_loop3A_475 = math.exp %parallel_loop3A_468 : vector<16xf32>
      %parallel_loop3A_476 = arith.select %parallel_loop3A_471, %parallel_loop3A_474, %parallel_loop3A_475 : vector<16xi1>, vector<16xf32>
      %parallel_loop3A_477 = arith.constant 0 : i32
      %parallel_loop3A_478 = arith.index_cast %parallel_loop3A_477 : i32 to index
      %parallel_loop3A_479 = arith.index_cast %parallel_loop3A_420 : i32 to index
      %parallel_loop3A_480 = arith.constant 32 : index
      %parallel_loop3A_481 = tpu.vector_load %arg8[%parallel_loop3A_478, %parallel_loop3A_479, %parallel_loop3A_480] {strides = array<i32>} : memref<3x128x128xf32, #tpu.memory_space<vmem>>, vector<1x1x16xf32>,
      %parallel_loop3A_482 = vector.shape_cast %parallel_loop3A_481 : vector<1x1x16xf32> to vector<16xf32>
      %parallel_loop3A_483 = vector.shape_cast %parallel_loop3A_476 : vector<16xf32> to vector<1x1x16xf32>
      tpu.vector_store %arg8[%parallel_loop3A_478, %parallel_loop3A_479, %parallel_loop3A_480], %parallel_loop3A_483 {strides = array<i32>} : memref<3x128x128xf32, #tpu.memory_space<vmem>>, vector<1x1x16xf32>,
      %parallel_loop3A_484 = arith.constant 0 : i32
      %parallel_loop3A_485 = arith.index_cast %parallel_loop3A_484 : i32 to index
      %parallel_loop3A_486 = arith.index_cast %parallel_loop3A_420 : i32 to index
      %parallel_loop3A_487 = arith.constant 48 : index
      %parallel_loop3A_488 = tpu.vector_load %arg8[%parallel_loop3A_485, %parallel_loop3A_486, %parallel_loop3A_487] {strides = array<i32>} : memref<3x128x128xf32, #tpu.memory_space<vmem>>, vector<1x1x16xf32>,
      %parallel_loop3A_489 = vector.shape_cast %parallel_loop3A_488 : vector<1x1x16xf32> to vector<16xf32>
      %parallel_loop3A_490 = arith.constant 0.000000e+00 : f32
      %parallel_loop3A_491 = vector.broadcast %parallel_loop3A_490 : f32 to vector<16xf32>
      %parallel_loop3A_492 = arith.cmpf ogt, %parallel_loop3A_489, %parallel_loop3A_491 : vector<16xf32>
      %parallel_loop3A_493 = arith.constant 1.000000e+00 : f32
      %parallel_loop3A_494 = vector.broadcast %parallel_loop3A_493 : f32 to vector<16xf32>
      %parallel_loop3A_495 = arith.addf %parallel_loop3A_489, %parallel_loop3A_494 : vector<16xf32>
      %parallel_loop3A_496 = math.exp %parallel_loop3A_489 : vector<16xf32>
      %parallel_loop3A_497 = arith.select %parallel_loop3A_492, %parallel_loop3A_495, %parallel_loop3A_496 : vector<16xi1>, vector<16xf32>
      %parallel_loop3A_498 = arith.constant 0 : i32
      %parallel_loop3A_499 = arith.index_cast %parallel_loop3A_498 : i32 to index
      %parallel_loop3A_500 = arith.index_cast %parallel_loop3A_420 : i32 to index
      %parallel_loop3A_501 = arith.constant 48 : index
      %parallel_loop3A_502 = tpu.vector_load %arg8[%parallel_loop3A_499, %parallel_loop3A_500, %parallel_loop3A_501] {strides = array<i32>} : memref<3x128x128xf32, #tpu.memory_space<vmem>>, vector<1x1x16xf32>,
      %parallel_loop3A_503 = vector.shape_cast %parallel_loop3A_502 : vector<1x1x16xf32> to vector<16xf32>
      %parallel_loop3A_504 = vector.shape_cast %parallel_loop3A_497 : vector<16xf32> to vector<1x1x16xf32>
      tpu.vector_store %arg8[%parallel_loop3A_499, %parallel_loop3A_500, %parallel_loop3A_501], %parallel_loop3A_504 {strides = array<i32>} : memref<3x128x128xf32, #tpu.memory_space<vmem>>, vector<1x1x16xf32>,
      %parallel_loop3A_505 = arith.constant 0 : i32
      %parallel_loop3A_506 = arith.index_cast %parallel_loop3A_505 : i32 to index
      %parallel_loop3A_507 = arith.index_cast %parallel_loop3A_420 : i32 to index
      %parallel_loop3A_508 = arith.constant 64 : index
      %parallel_loop3A_509 = tpu.vector_load %arg8[%parallel_loop3A_506, %parallel_loop3A_507, %parallel_loop3A_508] {strides = array<i32>} : memref<3x128x128xf32, #tpu.memory_space<vmem>>, vector<1x1x16xf32>,
      %parallel_loop3A_510 = vector.shape_cast %parallel_loop3A_509 : vector<1x1x16xf32> to vector<16xf32>
      %parallel_loop3A_511 = arith.constant 0.000000e+00 : f32
      %parallel_loop3A_512 = vector.broadcast %parallel_loop3A_511 : f32 to vector<16xf32>
      %parallel_loop3A_513 = arith.cmpf ogt, %parallel_loop3A_510, %parallel_loop3A_512 : vector<16xf32>
      %parallel_loop3A_514 = arith.constant 1.000000e+00 : f32
      %parallel_loop3A_515 = vector.broadcast %parallel_loop3A_514 : f32 to vector<16xf32>
      %parallel_loop3A_516 = arith.addf %parallel_loop3A_510, %parallel_loop3A_515 : vector<16xf32>
      %parallel_loop3A_517 = math.exp %parallel_loop3A_510 : vector<16xf32>
      %parallel_loop3A_518 = arith.select %parallel_loop3A_513, %parallel_loop3A_516, %parallel_loop3A_517 : vector<16xi1>, vector<16xf32>
      %parallel_loop3A_519 = arith.constant 0 : i32
      %parallel_loop3A_520 = arith.index_cast %parallel_loop3A_519 : i32 to index
      %parallel_loop3A_521 = arith.index_cast %parallel_loop3A_420 : i32 to index
      %parallel_loop3A_522 = arith.constant 64 : index
      %parallel_loop3A_523 = tpu.vector_load %arg8[%parallel_loop3A_520, %parallel_loop3A_521, %parallel_loop3A_522] {strides = array<i32>} : memref<3x128x128xf32, #tpu.memory_space<vmem>>, vector<1x1x16xf32>,
      %parallel_loop3A_524 = vector.shape_cast %parallel_loop3A_523 : vector<1x1x16xf32> to vector<16xf32>
      %parallel_loop3A_525 = vector.shape_cast %parallel_loop3A_518 : vector<16xf32> to vector<1x1x16xf32>
      tpu.vector_store %arg8[%parallel_loop3A_520, %parallel_loop3A_521, %parallel_loop3A_522], %parallel_loop3A_525 {strides = array<i32>} : memref<3x128x128xf32, #tpu.memory_space<vmem>>, vector<1x1x16xf32>,
      %parallel_loop3A_526 = arith.constant 0 : i32
      %parallel_loop3A_527 = arith.index_cast %parallel_loop3A_526 : i32 to index
      %parallel_loop3A_528 = arith.index_cast %parallel_loop3A_420 : i32 to index
      %parallel_loop3A_529 = arith.constant 80 : index
      %parallel_loop3A_530 = tpu.vector_load %arg8[%parallel_loop3A_527, %parallel_loop3A_528, %parallel_loop3A_529] {strides = array<i32>} : memref<3x128x128xf32, #tpu.memory_space<vmem>>, vector<1x1x16xf32>,
      %parallel_loop3A_531 = vector.shape_cast %parallel_loop3A_530 : vector<1x1x16xf32> to vector<16xf32>
      %parallel_loop3A_532 = arith.constant 0.000000e+00 : f32
      %parallel_loop3A_533 = vector.broadcast %parallel_loop3A_532 : f32 to vector<16xf32>
      %parallel_loop3A_534 = arith.cmpf ogt, %parallel_loop3A_531, %parallel_loop3A_533 : vector<16xf32>
      %parallel_loop3A_535 = arith.constant 1.000000e+00 : f32
      %parallel_loop3A_536 = vector.broadcast %parallel_loop3A_535 : f32 to vector<16xf32>
      %parallel_loop3A_537 = arith.addf %parallel_loop3A_531, %parallel_loop3A_536 : vector<16xf32>
      %parallel_loop3A_538 = math.exp %parallel_loop3A_531 : vector<16xf32>
      %parallel_loop3A_539 = arith.select %parallel_loop3A_534, %parallel_loop3A_537, %parallel_loop3A_538 : vector<16xi1>, vector<16xf32>
      %parallel_loop3A_540 = arith.constant 0 : i32
      %parallel_loop3A_541 = arith.index_cast %parallel_loop3A_540 : i32 to index
      %parallel_loop3A_542 = arith.index_cast %parallel_loop3A_420 : i32 to index
      %parallel_loop3A_543 = arith.constant 80 : index
      %parallel_loop3A_544 = tpu.vector_load %arg8[%parallel_loop3A_541, %parallel_loop3A_542, %parallel_loop3A_543] {strides = array<i32>} : memref<3x128x128xf32, #tpu.memory_space<vmem>>, vector<1x1x16xf32>,
      %parallel_loop3A_545 = vector.shape_cast %parallel_loop3A_544 : vector<1x1x16xf32> to vector<16xf32>
      %parallel_loop3A_546 = vector.shape_cast %parallel_loop3A_539 : vector<16xf32> to vector<1x1x16xf32>
      tpu.vector_store %arg8[%parallel_loop3A_541, %parallel_loop3A_542, %parallel_loop3A_543], %parallel_loop3A_546 {strides = array<i32>} : memref<3x128x128xf32, #tpu.memory_space<vmem>>, vector<1x1x16xf32>,
      %parallel_loop3A_547 = arith.constant 0 : i32
      %parallel_loop3A_548 = arith.index_cast %parallel_loop3A_547 : i32 to index
      %parallel_loop3A_549 = arith.index_cast %parallel_loop3A_420 : i32 to index
      %parallel_loop3A_550 = arith.constant 96 : index
      %parallel_loop3A_551 = tpu.vector_load %arg8[%parallel_loop3A_548, %parallel_loop3A_549, %parallel_loop3A_550] {strides = array<i32>} : memref<3x128x128xf32, #tpu.memory_space<vmem>>, vector<1x1x16xf32>,
      %parallel_loop3A_552 = vector.shape_cast %parallel_loop3A_551 : vector<1x1x16xf32> to vector<16xf32>
      %parallel_loop3A_553 = arith.constant 0.000000e+00 : f32
      %parallel_loop3A_554 = vector.broadcast %parallel_loop3A_553 : f32 to vector<16xf32>
      %parallel_loop3A_555 = arith.cmpf ogt, %parallel_loop3A_552, %parallel_loop3A_554 : vector<16xf32>
      %parallel_loop3A_556 = arith.constant 1.000000e+00 : f32
      %parallel_loop3A_557 = vector.broadcast %parallel_loop3A_556 : f32 to vector<16xf32>
      %parallel_loop3A_558 = arith.addf %parallel_loop3A_552, %parallel_loop3A_557 : vector<16xf32>
      %parallel_loop3A_559 = math.exp %parallel_loop3A_552 : vector<16xf32>
      %parallel_loop3A_560 = arith.select %parallel_loop3A_555, %parallel_loop3A_558, %parallel_loop3A_559 : vector<16xi1>, vector<16xf32>
      %parallel_loop3A_561 = arith.constant 0 : i32
      %parallel_loop3A_562 = arith.index_cast %parallel_loop3A_561 : i32 to index
      %parallel_loop3A_563 = arith.index_cast %parallel_loop3A_420 : i32 to index
      %parallel_loop3A_564 = arith.constant 96 : index
      %parallel_loop3A_565 = tpu.vector_load %arg8[%parallel_loop3A_562, %parallel_loop3A_563, %parallel_loop3A_564] {strides = array<i32>} : memref<3x128x128xf32, #tpu.memory_space<vmem>>, vector<1x1x16xf32>,
      %parallel_loop3A_566 = vector.shape_cast %parallel_loop3A_565 : vector<1x1x16xf32> to vector<16xf32>
      %parallel_loop3A_567 = vector.shape_cast %parallel_loop3A_560 : vector<16xf32> to vector<1x1x16xf32>
      tpu.vector_store %arg8[%parallel_loop3A_562, %parallel_loop3A_563, %parallel_loop3A_564], %parallel_loop3A_567 {strides = array<i32>} : memref<3x128x128xf32, #tpu.memory_space<vmem>>, vector<1x1x16xf32>,
      %parallel_loop3A_568 = arith.constant 0 : i32
      %parallel_loop3A_569 = arith.index_cast %parallel_loop3A_568 : i32 to index
      %parallel_loop3A_570 = arith.index_cast %parallel_loop3A_420 : i32 to index
      %parallel_loop3A_571 = arith.constant 112 : index
      %parallel_loop3A_572 = tpu.vector_load %arg8[%parallel_loop3A_569, %parallel_loop3A_570, %parallel_loop3A_571] {strides = array<i32>} : memref<3x128x128xf32, #tpu.memory_space<vmem>>, vector<1x1x16xf32>,
      %parallel_loop3A_573 = vector.shape_cast %parallel_loop3A_572 : vector<1x1x16xf32> to vector<16xf32>
      %parallel_loop3A_574 = arith.constant 0.000000e+00 : f32
      %parallel_loop3A_575 = vector.broadcast %parallel_loop3A_574 : f32 to vector<16xf32>
      %parallel_loop3A_576 = arith.cmpf ogt, %parallel_loop3A_573, %parallel_loop3A_575 : vector<16xf32>
      %parallel_loop3A_577 = arith.constant 1.000000e+00 : f32
      %parallel_loop3A_578 = vector.broadcast %parallel_loop3A_577 : f32 to vector<16xf32>
      %parallel_loop3A_579 = arith.addf %parallel_loop3A_573, %parallel_loop3A_578 : vector<16xf32>
      %parallel_loop3A_580 = math.exp %parallel_loop3A_573 : vector<16xf32>
      %parallel_loop3A_581 = arith.select %parallel_loop3A_576, %parallel_loop3A_579, %parallel_loop3A_580 : vector<16xi1>, vector<16xf32>
      %parallel_loop3A_582 = arith.constant 0 : i32
      %parallel_loop3A_583 = arith.index_cast %parallel_loop3A_582 : i32 to index
      %parallel_loop3A_584 = arith.index_cast %parallel_loop3A_420 : i32 to index
      %parallel_loop3A_585 = arith.constant 112 : index
      %parallel_loop3A_586 = tpu.vector_load %arg8[%parallel_loop3A_583, %parallel_loop3A_584, %parallel_loop3A_585] {strides = array<i32>} : memref<3x128x128xf32, #tpu.memory_space<vmem>>, vector<1x1x16xf32>,
      %parallel_loop3A_587 = vector.shape_cast %parallel_loop3A_586 : vector<1x1x16xf32> to vector<16xf32>
      %parallel_loop3A_588 = vector.shape_cast %parallel_loop3A_581 : vector<16xf32> to vector<1x1x16xf32>
      tpu.vector_store %arg8[%parallel_loop3A_583, %parallel_loop3A_584, %parallel_loop3A_585], %parallel_loop3A_588 {strides = array<i32>} : memref<3x128x128xf32, #tpu.memory_space<vmem>>, vector<1x1x16xf32>,
    } {sc.loop_unroll_factor = 2 : i64, sc.parallel_access}
    %dma_start3A_329 = arith.constant 0 : i32
    %dma_start3A_330 = arith.constant 0 : i32
    %dma_start3A_331 = arith.constant 0 : i32
    %dma_start3A_332 = tpu.memref_slice %arg8[%dma_start3A_329, %dma_start3A_330, %dma_start3A_331] : memref<3x128x128xf32, #tpu.memory_space<vmem>> -> memref<1x128x128xf32, #tpu.memory_space<vmem>>
    %dma_start3A_333 = tpu.memref_squeeze %dma_start3A_332 : memref<1x128x128xf32, #tpu.memory_space<vmem>> -> memref<128x128xf32, #tpu.memory_space<vmem>>
    %dma_start3A_334 = arith.constant 128 : i32
    %dma_start3A_335 = tpu.memref_slice %arg5[%add3A_288, %dma_start3A_334] : memref<16384x256xf32, #tpu.memory_space<hbm>> -> memref<128x128xf32, #tpu.memory_space<hbm>>
    %dma_start3A_336 = arith.constant 128 : i32
    %dma_start3A_337 = tpu.memref_slice %arg5[%add3A_288, %dma_start3A_336] : memref<16384x256xf32, #tpu.memory_space<hbm>> -> memref<128x128xf32, #tpu.memory_space<hbm>>
    %dma_start3A_338 = arith.constant 0 : i32
    %dma_start3A_339 = arith.constant 0 : i32
    %dma_start3A_340 = tpu.memref_slice %arg8[%dma_start3A_329, %dma_start3A_338, %dma_start3A_339] : memref<3x128x128xf32, #tpu.memory_space<vmem>> -> memref<1x128x128xf32, #tpu.memory_space<vmem>>
    %dma_start3A_341 = tpu.memref_squeeze %dma_start3A_340 : memref<1x128x128xf32, #tpu.memory_space<vmem>> -> memref<128x128xf32, #tpu.memory_space<vmem>>
    tpu.enqueue_dma source(%dma_start3A_341 : memref<128x128xf32, #tpu.memory_space<vmem>>) target(%dma_start3A_337 : memref<128x128xf32, #tpu.memory_space<hbm>>) target_semaphore(%arg12 : memref<!tpu.dma_semaphore, #tpu.memory_space<semaphore_mem>>)
    %dma_wait3A_342 = arith.constant 1 : i32
    %dma_wait3A_343 = arith.constant 0 : i32
    %dma_wait3A_344 = arith.constant 0 : i32
    %dma_wait3A_345 = tpu.memref_slice %arg7[%dma_wait3A_342, %dma_wait3A_343, %dma_wait3A_344] : memref<3x128x128xf32, #tpu.memory_space<vmem>> -> memref<1x128x128xf32, #tpu.memory_space<vmem>>
    %dma_wait3A_346 = tpu.memref_squeeze %dma_wait3A_345 : memref<1x128x128xf32, #tpu.memory_space<vmem>> -> memref<128x128xf32, #tpu.memory_space<vmem>>
    %dma_wait3A_347 = arith.constant 0 : i32
    %dma_wait3A_348 = tpu.memref_slice %arg5[%add3A_178, %dma_wait3A_347] : memref<16384x256xf32, #tpu.memory_space<hbm>> -> memref<128x128xf32, #tpu.memory_space<hbm>>
    %dma_wait3A_349 = arith.constant 0 : i32
    %dma_wait3A_350 = tpu.memref_slice %arg5[%add3A_178, %dma_wait3A_349] : memref<16384x256xf32, #tpu.memory_space<hbm>> -> memref<128x128xf32, #tpu.memory_space<hbm>>
    %dma_wait3A_351 = arith.constant 0 : i32
    %dma_wait3A_352 = arith.constant 0 : i32
    %dma_wait3A_353 = tpu.memref_slice %arg7[%dma_wait3A_342, %dma_wait3A_351, %dma_wait3A_352] : memref<3x128x128xf32, #tpu.memory_space<vmem>> -> memref<1x128x128xf32, #tpu.memory_space<vmem>>
    %dma_wait3A_354 = tpu.memref_squeeze %dma_wait3A_353 : memref<1x128x128xf32, #tpu.memory_space<vmem>> -> memref<128x128xf32, #tpu.memory_space<vmem>>
    tpu.wait_dma2 semaphore(%arg13 : memref<!tpu.dma_semaphore, #tpu.memory_space<semaphore_mem>>) src(%dma_wait3A_354 : memref<128x128xf32, #tpu.memory_space<vmem>>) dst(%dma_wait3A_350 : memref<128x128xf32, #tpu.memory_space<hbm>>)
    %dma_wait3A_355 = arith.constant 1 : i32
    %dma_wait3A_356 = arith.constant 0 : i32
    %dma_wait3A_357 = arith.constant 0 : i32
    %dma_wait3A_358 = tpu.memref_slice %arg8[%dma_wait3A_355, %dma_wait3A_356, %dma_wait3A_357] : memref<3x128x128xf32, #tpu.memory_space<vmem>> -> memref<1x128x128xf32, #tpu.memory_space<vmem>>
    %dma_wait3A_359 = tpu.memref_squeeze %dma_wait3A_358 : memref<1x128x128xf32, #tpu.memory_space<vmem>> -> memref<128x128xf32, #tpu.memory_space<vmem>>
    %dma_wait3A_360 = arith.constant 128 : i32
    %dma_wait3A_361 = tpu.memref_slice %arg5[%add3A_178, %dma_wait3A_360] : memref<16384x256xf32, #tpu.memory_space<hbm>> -> memref<128x128xf32, #tpu.memory_space<hbm>>
    %dma_wait3A_362 = arith.constant 128 : i32
    %dma_wait3A_363 = tpu.memref_slice %arg5[%add3A_178, %dma_wait3A_362] : memref<16384x256xf32, #tpu.memory_space<hbm>> -> memref<128x128xf32, #tpu.memory_space<hbm>>
    %dma_wait3A_364 = arith.constant 0 : i32
    %dma_wait3A_365 = arith.constant 0 : i32
    %dma_wait3A_366 = tpu.memref_slice %arg8[%dma_wait3A_355, %dma_wait3A_364, %dma_wait3A_365] : memref<3x128x128xf32, #tpu.memory_space<vmem>> -> memref<1x128x128xf32, #tpu.memory_space<vmem>>
    %dma_wait3A_367 = tpu.memref_squeeze %dma_wait3A_366 : memref<1x128x128xf32, #tpu.memory_space<vmem>> -> memref<128x128xf32, #tpu.memory_space<vmem>>
    tpu.wait_dma2 semaphore(%arg13 : memref<!tpu.dma_semaphore, #tpu.memory_space<semaphore_mem>>) src(%dma_wait3A_367 : memref<128x128xf32, #tpu.memory_space<vmem>>) dst(%dma_wait3A_363 : memref<128x128xf32, #tpu.memory_space<hbm>>)
    %dma_wait3A_368 = arith.constant 2 : i32
    %dma_wait3A_369 = arith.constant 0 : i32
    %dma_wait3A_370 = arith.constant 0 : i32
    %dma_wait3A_371 = tpu.memref_slice %arg7[%dma_wait3A_368, %dma_wait3A_369, %dma_wait3A_370] : memref<3x128x128xf32, #tpu.memory_space<vmem>> -> memref<1x128x128xf32, #tpu.memory_space<vmem>>
    %dma_wait3A_372 = tpu.memref_squeeze %dma_wait3A_371 : memref<1x128x128xf32, #tpu.memory_space<vmem>> -> memref<128x128xf32, #tpu.memory_space<vmem>>
    %dma_wait3A_373 = arith.constant 0 : i32
    %dma_wait3A_374 = tpu.memref_slice %arg5[%add3A_233, %dma_wait3A_373] : memref<16384x256xf32, #tpu.memory_space<hbm>> -> memref<128x128xf32, #tpu.memory_space<hbm>>
    %dma_wait3A_375 = arith.constant 0 : i32
    %dma_wait3A_376 = tpu.memref_slice %arg5[%add3A_233, %dma_wait3A_375] : memref<16384x256xf32, #tpu.memory_space<hbm>> -> memref<128x128xf32, #tpu.memory_space<hbm>>
    %dma_wait3A_377 = arith.constant 0 : i32
    %dma_wait3A_378 = arith.constant 0 : i32
    %dma_wait3A_379 = tpu.memref_slice %arg7[%dma_wait3A_368, %dma_wait3A_377, %dma_wait3A_378] : memref<3x128x128xf32, #tpu.memory_space<vmem>> -> memref<1x128x128xf32, #tpu.memory_space<vmem>>
    %dma_wait3A_380 = tpu.memref_squeeze %dma_wait3A_379 : memref<1x128x128xf32, #tpu.memory_space<vmem>> -> memref<128x128xf32, #tpu.memory_space<vmem>>
    tpu.wait_dma2 semaphore(%arg14 : memref<!tpu.dma_semaphore, #tpu.memory_space<semaphore_mem>>) src(%dma_wait3A_380 : memref<128x128xf32, #tpu.memory_space<vmem>>) dst(%dma_wait3A_376 : memref<128x128xf32, #tpu.memory_space<hbm>>)
    %dma_wait3A_381 = arith.constant 2 : i32
    %dma_wait3A_382 = arith.constant 0 : i32
    %dma_wait3A_383 = arith.constant 0 : i32
    %dma_wait3A_384 = tpu.memref_slice %arg8[%dma_wait3A_381, %dma_wait3A_382, %dma_wait3A_383] : memref<3x128x128xf32, #tpu.memory_space<vmem>> -> memref<1x128x128xf32, #tpu.memory_space<vmem>>
    %dma_wait3A_385 = tpu.memref_squeeze %dma_wait3A_384 : memref<1x128x128xf32, #tpu.memory_space<vmem>> -> memref<128x128xf32, #tpu.memory_space<vmem>>
    %dma_wait3A_386 = arith.constant 128 : i32
    %dma_wait3A_387 = tpu.memref_slice %arg5[%add3A_233, %dma_wait3A_386] : memref<16384x256xf32, #tpu.memory_space<hbm>> -> memref<128x128xf32, #tpu.memory_space<hbm>>
    %dma_wait3A_388 = arith.constant 128 : i32
    %dma_wait3A_389 = tpu.memref_slice %arg5[%add3A_233, %dma_wait3A_388] : memref<16384x256xf32, #tpu.memory_space<hbm>> -> memref<128x128xf32, #tpu.memory_space<hbm>>
    %dma_wait3A_390 = arith.constant 0 : i32
    %dma_wait3A_391 = arith.constant 0 : i32
    %dma_wait3A_392 = tpu.memref_slice %arg8[%dma_wait3A_381, %dma_wait3A_390, %dma_wait3A_391] : memref<3x128x128xf32, #tpu.memory_space<vmem>> -> memref<1x128x128xf32, #tpu.memory_space<vmem>>
    %dma_wait3A_393 = tpu.memref_squeeze %dma_wait3A_392 : memref<1x128x128xf32, #tpu.memory_space<vmem>> -> memref<128x128xf32, #tpu.memory_space<vmem>>
    tpu.wait_dma2 semaphore(%arg14 : memref<!tpu.dma_semaphore, #tpu.memory_space<semaphore_mem>>) src(%dma_wait3A_393 : memref<128x128xf32, #tpu.memory_space<vmem>>) dst(%dma_wait3A_389 : memref<128x128xf32, #tpu.memory_space<hbm>>)
    %dma_wait3A_394 = arith.constant 0 : i32
    %dma_wait3A_395 = arith.constant 0 : i32
    %dma_wait3A_396 = arith.constant 0 : i32
    %dma_wait3A_397 = tpu.memref_slice %arg7[%dma_wait3A_394, %dma_wait3A_395, %dma_wait3A_396] : memref<3x128x128xf32, #tpu.memory_space<vmem>> -> memref<1x128x128xf32, #tpu.memory_space<vmem>>
    %dma_wait3A_398 = tpu.memref_squeeze %dma_wait3A_397 : memref<1x128x128xf32, #tpu.memory_space<vmem>> -> memref<128x128xf32, #tpu.memory_space<vmem>>
    %dma_wait3A_399 = arith.constant 0 : i32
    %dma_wait3A_400 = tpu.memref_slice %arg5[%add3A_288, %dma_wait3A_399] : memref<16384x256xf32, #tpu.memory_space<hbm>> -> memref<128x128xf32, #tpu.memory_space<hbm>>
    %dma_wait3A_401 = arith.constant 0 : i32
    %dma_wait3A_402 = tpu.memref_slice %arg5[%add3A_288, %dma_wait3A_401] : memref<16384x256xf32, #tpu.memory_space<hbm>> -> memref<128x128xf32, #tpu.memory_space<hbm>>
    %dma_wait3A_403 = arith.constant 0 : i32
    %dma_wait3A_404 = arith.constant 0 : i32
    %dma_wait3A_405 = tpu.memref_slice %arg7[%dma_wait3A_394, %dma_wait3A_403, %dma_wait3A_404] : memref<3x128x128xf32, #tpu.memory_space<vmem>> -> memref<1x128x128xf32, #tpu.memory_space<vmem>>
    %dma_wait3A_406 = tpu.memref_squeeze %dma_wait3A_405 : memref<1x128x128xf32, #tpu.memory_space<vmem>> -> memref<128x128xf32, #tpu.memory_space<vmem>>
    tpu.wait_dma2 semaphore(%arg12 : memref<!tpu.dma_semaphore, #tpu.memory_space<semaphore_mem>>) src(%dma_wait3A_406 : memref<128x128xf32, #tpu.memory_space<vmem>>) dst(%dma_wait3A_402 : memref<128x128xf32, #tpu.memory_space<hbm>>)
    %dma_wait3A_407 = arith.constant 0 : i32
    %dma_wait3A_408 = arith.constant 0 : i32
    %dma_wait3A_409 = arith.constant 0 : i32
    %dma_wait3A_410 = tpu.memref_slice %arg8[%dma_wait3A_407, %dma_wait3A_408, %dma_wait3A_409] : memref<3x128x128xf32, #tpu.memory_space<vmem>> -> memref<1x128x128xf32, #tpu.memory_space<vmem>>
    %dma_wait3A_411 = tpu.memref_squeeze %dma_wait3A_410 : memref<1x128x128xf32, #tpu.memory_space<vmem>> -> memref<128x128xf32, #tpu.memory_space<vmem>>
    %dma_wait3A_412 = arith.constant 128 : i32
    %dma_wait3A_413 = tpu.memref_slice %arg5[%add3A_288, %dma_wait3A_412] : memref<16384x256xf32, #tpu.memory_space<hbm>> -> memref<128x128xf32, #tpu.memory_space<hbm>>
    %dma_wait3A_414 = arith.constant 128 : i32
    %dma_wait3A_415 = tpu.memref_slice %arg5[%add3A_288, %dma_wait3A_414] : memref<16384x256xf32, #tpu.memory_space<hbm>> -> memref<128x128xf32, #tpu.memory_space<hbm>>
    %dma_wait3A_416 = arith.constant 0 : i32
    %dma_wait3A_417 = arith.constant 0 : i32
    %dma_wait3A_418 = tpu.memref_slice %arg8[%dma_wait3A_407, %dma_wait3A_416, %dma_wait3A_417] : memref<3x128x128xf32, #tpu.memory_space<vmem>> -> memref<1x128x128xf32, #tpu.memory_space<vmem>>
    %dma_wait3A_419 = tpu.memref_squeeze %dma_wait3A_418 : memref<1x128x128xf32, #tpu.memory_space<vmem>> -> memref<128x128xf32, #tpu.memory_space<vmem>>
    tpu.wait_dma2 semaphore(%arg12 : memref<!tpu.dma_semaphore, #tpu.memory_space<semaphore_mem>>) src(%dma_wait3A_419 : memref<128x128xf32, #tpu.memory_space<vmem>>) dst(%dma_wait3A_415 : memref<128x128xf32, #tpu.memory_space<hbm>>)
    return
  }
}

</mosaic_0001>

<sc_bundles>
// kernel: kernel.3.cloned.1.call-start
scs
__scs_entry_jumppad:
0x0: {  	(pc) =	sbr.rel $0x88, $3  }
0x1: {  	(tag) =	ssettag $0x0;
	lr =	simm.s32 $0x1  }
0x2: {  	[smem:$0x3F9E] =	sst lr;
	_ =	strace $0xD0000000  }
0x3: {  	_ = 	snop  }
0x4: {  	_ = 	snop  }
0x5: {  	_ = 	snop  }
0x6: {  	_ = 	snop  }
0x7: {  	_ = 	snop  }
__scs_overlays_trampoline_lowered:
0x8: {  	[smem:$0x3FAD] =	sst s0  }
0x9: {  	[smem:$0x3FAE] =	sst s1  }
0xa: {  	[smem:$0x3FAF] =	sst s2  }
0xb: {  	[smem:$0x3FB0] =	sst s3  }
0xc: {  	[smem:$0x3FB1] =	sst s4  }
0xd: {  	[smem:$0x3FB2] =	sst s5  }
0xe: {  	[smem:$0x3FB3] =	sst s6  }
0xf: {  	[smem:$0x3FB4] =	sst s7  }
0x10: {  	[smem:$0x3FB5] =	sst s8  }
0x11: {  	[smem:$0x3FB6] =	sst s9;
	s0 =	simm.s32 @!p0 $0x0  }
0x12: {  	s1 =	sld [smem:$0x3F9C];
	s0 =	simm.s32 @p0 $0x1  }
0x13: {  	[smem:$0x3FB7] =	sst s0;
	s0 =	simm.s32 @!p1 $0x0  }
0x14: {  	s2 =	sld [smem:$0x3F9B];
	s0 =	simm.s32 @p1 $0x1  }
0x15: {  	[smem:$0x3FB8] =	sst s0;
	s0 =	simm.s32 @!p2 $0x0  }
0x16: {  	s3 =	sld [smem:$0x3FDB];
	s0 =	simm.s32 @p2 $0x1  }
0x17: {  	s4 =	simm.s32 $0x1BF5;
	[smem:$0x3FBA] =	sst s0  }
0x18: {  	s0 =	sld [smem:$0x3F9D];
	_ =	swait.ge [sflag:s4], $0x0  }
0x19: {  	s7 =	sld [smem:$0x3F9E]  }
0x1a: {  	s8 =	sadd.s32 $0xFFFFE003, lr  }
0x1b: {  	s9 =	sadd.s32 $0xFFFFFEF7, lr;
	s5 =	simm.s32 $0xFFFFFFFF;
	p2 =	slt.u32 s8, $0xFFFFF086  }
0x1c: {  	p1 =	slt.u32 s9, $0xF7A;
	s5 =	simm.s32 @!p2 $0x0  }
0x1d: {  	s5 =	simm.s32 @p1 $0x1;
	p0 =	seq.s32 s7, s2  }
0x1e: {  	s7 =	smul.u32 @!p0 $0xF7A, s2;
	p2 =	seq.s32 @!p0 s5, $0x0  }
0x1f: {  	s9 =	smul.u32 $0xF7A, s1;
	s8 =	simm.s32 @!p0 $0x1BF5;
	p2 =	por !p2, p0  }
0x20: {  	[sflag:s8] =	ssyncset.s32 @!p0 $0xFFFFF086;
	s6 =	sadd.s32 @!p0 s3, s7;
	s7 =	simm.s32 @!p0 $0x108  }
0x21: {  	s3 =	sadd.s32 s3, s9;
	s6 =	sadd.s32 @!p0 $0x88, s6;
	s7 =	simm.s32 @p2 $0x1082  }
0x22: {  	[simem:s7], [sflag:s8] =	dma.local @!p0 [hbm:s6], $0xF7A  }
0x23: {  	s9 =	sor.u32 $0xD0000000, s2;
	s6 =	simm.s32 $0x108;
	_ =	swait.ge @!p0 [sflag:s8], $0x0  }
0x24: {  	s3 =	sadd.s32 $0x88, s3;
	s6 =	simm.s32 @!p1 $0x1082;
	[sflag:s4] =	ssyncset.s32 $0xFFFFF086  }
0x25: {  	[simem:s6], [sflag:s4] =	dma.local [hbm:s3], $0xF7A  }
0x26: {  	[smem:$0x3F9E] =	sst s1;
	(tag) =	ssettag s2;
	_ =	strace s9  }
0x27: {  	s1 =	sld [smem:$0x3FAE]  }
0x28: {  	s2 =	sld [smem:$0x3FAF]  }
0x29: {  	s4 =	sld [smem:$0x3FB1]  }
0x2a: {  	p0 =	seq.s32 s5, $0x0;
	s5 =	sld [smem:$0x3FB2]  }
0x2b: {  	s6 =	sld [smem:$0x3FB3]  }
0x2c: {  	s7 =	sld [smem:$0x3FB4]  }
0x2d: {  	s3 =	simm.s32 $0x108;
	s8 =	sld [smem:$0x3FB5]  }
0x2e: {  	s3 =	simm.s32 @!p0 $0x1082;
	s9 =	sld [smem:$0x3FB6]  }
0x2f: {  	lr =	sadd.s32 s0, s3;
	s0 =	sld [smem:$0x3FAD]  }
0x30: {  	s3 =	sld [smem:$0x3FB0]  }
0x31: {  	[smem:$0x3FB9] =	sst s10  }
0x32: {  	s10 =	sld [smem:$0x3FB7];
	_ =	sdelay $0x3  }
0x33: {  	p0 =	seq.s32 s10, $0x1;
	s10 =	sld [smem:$0x3FB9];
	_ =	sdelay $0x3  }
0x34: {  	[smem:$0x3FB9] =	sst s10  }
0x35: {  	s10 =	sld [smem:$0x3FB8];
	_ =	sdelay $0x3  }
0x36: {  	p1 =	seq.s32 s10, $0x1;
	s10 =	sld [smem:$0x3FB9];
	_ =	sdelay $0x3  }
0x37: {  	[smem:$0x3FB9] =	sst s10  }
0x38: {  	s10 =	sld [smem:$0x3FBA]  }
0x39: {  	_ = 	snop;
	(pc) =	sbr.ind lr, $3  }
0x3a: {  	_ = 	snop  }
0x3b: {  	_ = 	snop  }
0x3c: {  	p2 =	seq.s32 s10, $0x1;
	s10 =	sld [smem:$0x3FB9]  }
0x3d: {  	_ =	shalt  }
0x3e: {  	_ =	shalt  }
0x3f: {  	_ =	shalt  }
0x40: {  	_ =	shalt  }
0x41: {  	_ =	shalt  }
0x42: {  	_ =	shalt  }
0x43: {  	_ =	shalt  }
0x44: {  	_ =	shalt  }
0x45: {  	_ =	shalt  }
0x46: {  	_ =	shalt  }
0x47: {  	_ =	shalt  }
0x48: {  	_ =	shalt  }
0x49: {  	_ =	shalt  }
0x4a: {  	_ =	shalt  }
0x4b: {  	_ =	shalt  }
0x4c: {  	_ =	shalt  }
0x4d: {  	_ =	shalt  }
0x4e: {  	_ =	shalt  }
0x4f: {  	_ =	shalt  }
0x50: {  	_ =	shalt  }
0x51: {  	_ =	shalt  }
0x52: {  	_ =	shalt  }
0x53: {  	_ =	shalt  }
0x54: {  	_ =	shalt  }
0x55: {  	_ =	shalt  }
0x56: {  	_ =	shalt  }
0x57: {  	_ =	shalt  }
0x58: {  	_ =	shalt  }
0x59: {  	_ =	shalt  }
0x5a: {  	_ =	shalt  }
0x5b: {  	_ =	shalt  }
0x5c: {  	_ =	shalt  }
0x5d: {  	_ =	shalt  }
0x5e: {  	_ =	shalt  }
0x5f: {  	_ =	shalt  }
0x60: {  	_ =	shalt  }
0x61: {  	_ =	shalt  }
0x62: {  	_ =	shalt  }
0x63: {  	_ =	shalt  }
0x64: {  	_ =	shalt  }
0x65: {  	_ =	shalt  }
0x66: {  	_ =	shalt  }
0x67: {  	_ =	shalt  }
0x68: {  	_ =	shalt  }
0x69: {  	_ =	shalt  }
0x6a: {  	_ =	shalt  }
0x6b: {  	_ =	shalt  }
0x6c: {  	_ =	shalt  }
0x6d: {  	_ =	shalt  }
0x6e: {  	_ =	shalt  }
0x6f: {  	_ =	shalt  }
0x70: {  	_ =	shalt  }
0x71: {  	_ =	shalt  }
0x72: {  	_ =	shalt  }
0x73: {  	_ =	shalt  }
0x74: {  	_ =	shalt  }
0x75: {  	_ =	shalt  }
0x76: {  	_ =	shalt  }
0x77: {  	_ =	shalt  }
0x78: {  	_ =	shalt  }
0x79: {  	_ =	shalt  }
0x7a: {  	_ =	shalt  }
0x7b: {  	_ =	shalt  }
0x7c: {  	_ =	shalt  }
0x7d: {  	_ =	shalt  }
0x7e: {  	_ =	shalt  }
0x7f: {  	_ =	shalt  }
0x80: {  	_ =	shalt  }
0x81: {  	_ =	shalt  }
0x82: {  	_ =	shalt  }
0x83: {  	_ =	shalt  }
0x84: {  	_ =	shalt  }
0x85: {  	_ =	shalt  }
0x86: {  	_ =	shalt  }
0x87: {  	_ =	shalt  }
.Lfunc_end0:
.L_simem_size_0:
called_computation_lowered:
.L_overlay_start_0:
0x88: {  	s2 =	sld [smem:$0x3FD9]  }
0x89: {  	s3 =	sld [smem:$0x3FFE];
	_ =	sdelay $0x1  }
0x8a: {  	s1 =	srdreg.scid  }
0x8b: {  	s0 =	sand.u32 $0x1, s1  }
0x8c: {  	s18 =	sshll.u32 s0, $0xA;
	s2 =	sadd.s32 s3, s2  }
0x8d: {  	s2 =	sadd.s32 s2, s18  }
0x8e: {  	[smem:$0x3FC5] =	sst s2  }
0x8f: {  	_ = 	snop  }
0x90: {  	s2 =	sld [smem:$0x3FC9]  }
0x91: {  	s19 =	sld [smem:$0x3FC8]  }
0x92: {  	s4 =	sld [smem:$0x3FC7]  }
0x93: {  	s5 =	sld [smem:$0x3FD0];
	(tm) =	ssettm $0x1  }
0x94: {  	s6 =	sld [smem:$0x3FFB];
	_ =	sdelay $0x3  }
0x95: {  	_ =	strace s6  }
0x96: {  	s6 =	sld [smem:$0x3FFC];
	_ =	sdelay $0x3  }
0x97: {  	_ =	strace s6  }
0x98: {  	s6 =	sld [smem:$0x3FFD];
	_ =	sdelay $0x3  }
0x99: {  	_ =	strace s6  }
0x9a: {  	_ =	strace $0x8FFFFFFF  }
0x9b: {  	s20 =	sld [smem:$0x3FDB];
	_ =	sdelay $0x1  }
0x9c: {  	s7 =	simm.s32 $_scs_section_size  }
0x9d: {  	s8 =	simm.s32 $_size__tile_overlayer_lowered;
	s9 =	simm.s32 $_tile_overlayer_lowered  }
0x9e: {  	s23 =	simm.s32 $0x1BFF;
	s22 =	sshll.u32 s9, $0x1;
	s6 =	sadd.s32 s7, s20  }
0x9f: {  	s10 =	simm.s32 $0x0;
	s21 =	sshll.u32 s8, $0x1;
	s8 =	sadd.s32 s22, s6  }
0xa0: {  	[timem:s10], [sflag:s23] =	dma.local [hbm:s8], s21  }
0xa1: {  	_ =	swait.ge [sflag:s23], s21  }
0xa2: {  	s7 =	ssub.s32 $0x0, s21;
	[sflag:s23] =	ssyncset.done $0x0  }
0xa3: {  	[sflag:s23] =	ssyncadd.s32 s7;
	_ =	sdelay $0x1  }
0xa4: {  	s24 =	simm.s32 $0x1B8B  }
0xa5: {  	_ =	swait.ge [sflag:s24], $0x1  }
0xa6: {  	[sflag:s24] =	ssyncset.done $0x0  }
0xa7: {  	s25 =	simm.s32 $0x1B8E;
	[sflag:s24] =	ssyncadd.s32 $0xFFFFFFFF  }
0xa8: {  	s26 =	simm.s32 $execute0_lowered;
	[smem:$0x3FD2] =	sst s25  }
0xa9: {  	s7 =	sshll.u32 s26, $0x1;
	_ =	strace $0x80000046;
	[dreg:$0x1] =	wrdreg $0xFFFFFFFF  }
0xaa: {  	s28 =	simm.s32 $_size_execute0_lowered;
	s6 =	sadd.s32 s6, s7;
	[dreg:$0x0] =	wrdreg $0x0  }
0xab: {  	s7 =	sshll.u32 s28, $0x1;
	[dreg:$0x2] =	wrdreg s6  }
0xac: {  	[dreg:$0x3] =	wrdreg s7  }
0xad: {  	[dreg:$0x4] =	wrdreg $0xC0  }
0xae: {  	_ =	task [dreg:s10], $0x5FFFF  }
0xaf: {  	[dreg:$0x1] =	wrdreg $0xFFFFFFFF  }
0xb0: {  	[dreg:$0x0] =	wrdreg $0x60  }
0xb1: {  	[dreg:$0x2] =	wrdreg s2  }
0xb2: {  	[dreg:$0x3] =	wrdreg s19  }
0xb3: {  	[dreg:$0x4] =	wrdreg s4  }
0xb4: {  	[dreg:$0x5] =	wrdreg s5  }
0xb5: {  	[dreg:$0x6] =	wrdreg $0x9  }
0xb6: {  	_ =	task.clear_ibuf [dreg:s10], $0x7FFFF;
	_ =	strace $0x90000046  }
0xb7: {  	s29 =	simm.s32 $0x9;
	_ =	strace $0x80000048  }
0xb8: {  	_ =	swait.ge [sflag:s29], $0x1  }
0xb9: {  	[sflag:s29] =	ssyncadd.s32 $0xFFFFFFFF  }
0xba: {  	_ =	strace $0x90000048  }
0xbb: {  	_ =	sfence  }
0xbc: {  	s30 =	sld [smem:$0x0];
	_ =	sdelay $0x2  }
0xbd: {  	s31 =	sshll.u32 s1, $0xD;
	s1 =	sshrl.u32 s1, $0x2  }
0xbe: {  	s3 =	sand.u32 $0x4000, s31;
	s1 =	sadd.s32 s1, s30  }
0xbf: {  	s0 =	sor.u32 s3, s0;
	s1 =	sshll.u32 s1, $0x11  }
0xc0: {  	s0 =	sor.u32 s1, s0  }
0xc1: {  	s0 =	sadd.s32 $0x8F2B, s0  }
0xc2: {  	[sflag:s0] =	ssyncadd.remote.s32 $0x1  }
0xc3: {  	_ =	sfence.sel $0xFFFF  }
0xc4: {  	[dreg:$0x0] =	wrdreg $0xFFFFFFFF;
	(pc) =	sbr.abs _section_cstart, $3  }
0xc5: {  	[dreg:$0x1] =	wrdreg $0xFFFFFFFF  }
0xc6: {  	_ =	task.clear_ibuf [dreg:s10], $0x2FFFF;
	_ =	strace $0x9FFFFFFF  }
0xc7: {  	(tm) =	ssettm $0x7FFFFFFF  }
tec
execute0_lowered:
.L_overlay_start_1:
0x0: {  	(tag) =	ssettag $0x1  }
0x1: {  	s0 =	rddreg [dreg:$0x0]  }
0x2: {  	s1 =	rddreg [dreg:$0x1]  }
0x3: {  	s2 =	rddreg [dreg:$0x2]  }
0x4: {  	s3 =	rddreg [dreg:$0x3]  }
0x5: {  	s5 =	srdreg.scid;
	s4 =	simm.s32 $0x0;
	s6 =	stileid.u32  }
0x6: {  	s15 =	simm.s32 $0x7;
	s16 =	simm.s32 $0x80;
	s17 =	simm.s32 $0x200  }
0x7: {  	s18 =	simm.s32 $0xC200;
	s23 =	simm.s32 $0x14200;
	s24 =	simm.s32 $0x1  }
0x8: {  	s25 =	simm.s32 $0x400;
	s28 =	simm.s32 $0x4;
	s29 =	simm.s32 $0x180  }
0x9: {  	s30 =	simm.s32 $0x2;
	s31 =	simm.s32 $0x3;
	s5 =	sand.u32 $0x1, s5  }
0xa: {  	s19 =	simm.s32 $0x0;
	s6 =	sshll.u32 s6, $0xA;
	s7 =	sshll.u32 s5, $0x9  }
0xb: {  	[smem:$0x7FF] =	sst s4;
	s5 =	ssub.s32 $0x2, s5;
	s6 =	sor.u32 s7, s6  }
0xc: {  	_ =	strace $0x80000047;
	s26 =	sshrl.u32 s5, $0x1;
	s8 =	sshrl.u32 s6, $0x3  }
0xd: {  	s6 =	sshll.u32 s6, $0x5;
	s14 =	ssub.s32 s5, s26;
	s26 =	simm.s32 $0x800  }
0xe: {  	s5 =	sadd.s32 s0, s8;
	s6 =	sadd.s32 s3, s6;
	s14 =	smax.u32 s14, $0x1  }
0xf: {  	s0 =	simm.s32 $0x5;
	s3 =	simm.s32 $0x6;
	s7 =	sadd.s32 $0x80, s6  }
0x10: {  	s8 =	sadd.s32 $0x1000, s6;
	s9 =	sadd.s32 $0x1080, s6;
	s10 =	sadd.s32 $0x2000, s6  }
0x11: {  	s11 =	sadd.s32 $0x2080, s6;
	s12 =	sadd.s32 $0x3000, s6;
	s13 =	sadd.s32 $0x3080, s6  }
.LBB2_1:
0x12: {  	[tilespmem:s4], [sflag:$0x7] =	stream.linear.gather [hbm4b:s5+s4], $0x200, $0x38;
	[tilespmem:$0x18200] =	vst v63  }
0x13: {  	_ =	swait.ge [sflag:s15], $0x200  }
0x14: {  	[sflag:s15] =	ssyncset.done $0x0  }
0x15: {  	[sflag:s15] =	ssyncadd.s32 $0xFFFFFE00  }
0x16: {  	[tilespmem:s17], [sflag:$0x1] =	stream.indirect.gather [hbm4b:s1+s16], $0x80, s4, s16, $0xb8;
	[tilespmem:$0x18200] =	vst v63  }
0x17: {  	_ = 	snop  }
0x18: {  	[tilespmem:s18], [sflag:$0x1] =	stream.indirect.gather [hbm4b:s2+s16], $0x80, s4, s16, $0xb8;
	[tilespmem:$0x18200] =	vst v63  }
0x19: {  	s20 =	simm.s32 $0x4200  }
0x1a: {  	[tilespmem:s20], [sflag:$0x2] =	stream.indirect.gather [hbm4b:s1+s16], $0x80, s16, s16, $0xb8;
	[tilespmem:$0x18200] =	vst v63  }
0x1b: {  	s21 =	simm.s32 $0x10200  }
0x1c: {  	[tilespmem:s21], [sflag:$0x2] =	stream.indirect.gather [hbm4b:s2+s16], $0x80, s16, s16, $0xb8;
	[tilespmem:$0x18200] =	vst v63  }
0x1d: {  	s22 =	simm.s32 $0x100;
	s21 =	simm.s32 $0x8200  }
0x1e: {  	[tilespmem:s21], [sflag:$0x3] =	stream.indirect.gather [hbm4b:s1+s16], $0x80, s22, s16, $0xb8;
	[tilespmem:$0x18200] =	vst v63  }
0x1f: {  	_ = 	snop  }
0x20: {  	[tilespmem:s23], [sflag:$0x3] =	stream.indirect.gather [hbm4b:s2+s16], $0x80, s22, s16, $0xb8;
	[tilespmem:$0x18200] =	vst v63  }
0x21: {  	_ =	swait.ge [sflag:s24], $0x4000  }
0x22: {  	[sflag:s24] =	ssyncset.done $0x0  }
0x23: {  	[sflag:s24] =	ssyncadd.s32 $0xFFFFC000  }
0x24: {  	[hbm4b:s6+s25] =	stream.strided.scatter [tilespmem:s17], [sflag:$0x4], $0x4000, s26, s25, $0x38;
	[tilespmem:$0x18200] =	vst v63  }
0x25: {  	_ =	swait.ge [sflag:s24], $0x4000  }
0x26: {  	[sflag:s24] =	ssyncset.done $0x0  }
0x27: {  	s20 =	simm.s32 $0xC280;
	[sflag:s24] =	ssyncadd.s32 $0xFFFFC000  }
0x28: {  	v10 =	vld [tilespmem:s20+$0x70]  }
0x29: {  	v1 =	vld [tilespmem:s20+$0xFFFFFF90]  }
0x2a: {  	v22 =	vld [tilespmem:s20+$0xFFFFFFA0]  }
0x2b: {  	v23 =	vld [tilespmem:s20+$0xFFFFFFB0]  }
0x2c: {  	v24 =	vld [tilespmem:s20+$0xFFFFFFC0]  }
0x2d: {  	v25 =	vld [tilespmem:s20+$0xFFFFFFD0]  }
0x2e: {  	v26 =	vld [tilespmem:s20+$0xFFFFFFE0]  }
0x2f: {  	v27 =	vld [tilespmem:s20+$0xFFFFFFF0];
	v2 =	vmul.f32 $1.442695020e+00, v10  }
0x30: {  	v28 =	vld [tilespmem:s20+$0x0];
	v3 =	vmul.f32 $1.442695020e+00, v1;
	v4 =	vmul.f32 $1.442695020e+00, v22  }
0x31: {  	v29 =	vld [tilespmem:s20+$0x10];
	v5 =	vmul.f32 $1.442695020e+00, v23;
	v6 =	vmul.f32 $1.442695020e+00, v24  }
0x32: {  	v9 =	vld [tilespmem:s20+$0x60];
	v7 =	vmul.f32 $1.442695020e+00, v25;
	(erf) = vpow2.f32 v2  }
0x33: {  	v15 =	vld [tilespmem:s20+$0xFFFFFF80];
	vm0 =	vgt.f32 v1, $0.0e+00;
	v8 =	vmul.f32 $1.442695020e+00, v26;
	(erf) = vpow2.f32 v3  }
0x34: {  	v0 =	vadd.f32 $1.000000000e+00, v1;
	v11 =	vmul.f32 $1.442695020e+00, v27;
	(erf) = vpow2.f32 v4  }
0x35: {  	v30 =	vld [tilespmem:s20+$0x20];
	v1 =	vadd.f32 $1.000000000e+00, v22;
	v12 =	vmul.f32 $1.442695020e+00, v28;
	(erf) = vpow2.f32 v5  }
0x36: {  	v31 =	vld [tilespmem:s20+$0x30];
	v13 =	vmul.f32 $1.442695020e+00, v29;
	v14 =	vadd.f32 $1.000000000e+00, v10;
	(erf) = vpow2.f32 v6  }
0x37: {  	v32 =	vld [tilespmem:s20+$0x40];
	vm1 =	vgt.f32 v10, $0.0e+00;
	v20 =	vmul.f32 $1.442695020e+00, v9;
	(erf) = vpow2.f32 v7  }
0x38: {  	v33 =	vld [tilespmem:s20+$0x50];
	v21 =	vmul.f32 $1.442695020e+00, v15;
	vm13 =	vgt.f32 v22, $0.0e+00;
	(erf) = vpow2.f32 v8  }
0x39: {  	vm12 =	vgt.f32 v23, $0.0e+00;
	vm10 =	vgt.f32 v24, $0.0e+00;
	(erf) = vpow2.f32 v11  }
0x3a: {  	vm11 =	vgt.f32 v25, $0.0e+00;
	v11 =	vmul.f32 $1.442695020e+00, v30;
	(erf) = vpow2.f32 v12  }
0x3b: {  	vm8 =	vgt.f32 v26, $0.0e+00;
	v12 =	vmul.f32 $1.442695020e+00, v31;
	(erf) = vpow2.f32 v13;
	v10 =	vpop (erf)  }
0x3c: {  	vm6 =	vgt.f32 v27, $0.0e+00;
	v13 =	vmul.f32 $1.442695020e+00, v32;
	v16 =	vpop (erf);
	(erf) = vpow2.f32 v11  }
0x3d: {  	v34 =	vsel vm1, v14, v10;
	v14 =	vmul.f32 $1.442695020e+00, v33;
	v18 =	vpop (erf);
	(erf) = vpow2.f32 v12  }
0x3e: {  	vm9 =	vgt.f32 v28, $0.0e+00;
	vm5 =	vgt.f32 v29, $0.0e+00;
	v17 =	vpop (erf);
	(erf) = vpow2.f32 v13  }
0x3f: {  	vm4 =	vgt.f32 v30, $0.0e+00;
	v2 =	vadd.f32 $1.000000000e+00, v23;
	v19 =	vpop (erf);
	(erf) = vpow2.f32 v14  }
0x40: {  	v3 =	vadd.f32 $1.000000000e+00, v24;
	v4 =	vadd.f32 $1.000000000e+00, v25;
	(erf) = vpow2.f32 v20;
	v20 =	vpop (erf)  }
0x41: {  	v5 =	vadd.f32 $1.000000000e+00, v26;
	v6 =	vadd.f32 $1.000000000e+00, v27;
	(erf) = vpow2.f32 v21;
	v21 =	vpop (erf)  }
0x42: {  	vm7 =	vgt.f32 v31, $0.0e+00;
	v7 =	vadd.f32 $1.000000000e+00, v28;
	v8 =	vadd.f32 $1.000000000e+00, v29;
	v22 =	vpop (erf)  }
0x43: {  	vm3 =	vgt.f32 v32, $0.0e+00;
	v10 =	vadd.f32 $1.000000000e+00, v30;
	v11 =	vadd.f32 $1.000000000e+00, v31;
	v23 =	vpop (erf)  }
0x44: {  	vm2 =	vgt.f32 v33, $0.0e+00;
	v12 =	vadd.f32 $1.000000000e+00, v33;
	v13 =	vadd.f32 $1.000000000e+00, v15;
	v24 =	vpop (erf)  }
0x45: {  	s21 =	simm.s32 $0x0;
	s22 =	simm.s32 $0xC380;
	vm1 =	vgt.f32 v15, $0.0e+00;
	[tilespmem:s20+$0x70] =	vst v34;
	v15 =	vadd.f32 $1.000000000e+00, v9;
	v14 =	vadd.f32 $1.000000000e+00, v32;
	v25 =	vpop (erf)  }
.LBB2_2:
0x46: {  	v26 =	vld [tilespmem:s22+$0x70];
	s21 =	sadd.s32 $0x2, s21;
	v0 =	vsel vm0, v0, v16;
	v18 =	vsel vm13, v1, v18;
	vm0 =	vgt.f32 v9, $0.0e+00;
	v9 =	vpop (erf)  }
0x47: {  	v17 =	vsel vm12, v2, v17;
	v2 =	vsel vm10, v3, v19;
	v3 =	vsel vm11, v4, v20;
	v16 =	vld [tilespmem:s22+$0xFFFFFF90];
	p0 =	slt.u32 s21, $0x7E;
	[tilespmem:s20+$0xFFFFFF90] =	vst v0;
	v4 =	vpop (erf)  }
0x48: {  	v5 =	vsel vm8, v5, v21;
	v6 =	vsel vm6, v6, v22;
	v7 =	vsel vm9, v7, v23;
	v27 =	vld [tilespmem:s22+$0xFFFFFFA0];
	[tilespmem:s20+$0xFFFFFFA0] =	vst v18;
	v1 =	vpop (erf)  }
0x49: {  	v8 =	vsel vm5, v8, v24;
	v10 =	vsel vm4, v10, v25;
	v9 =	vsel vm7, v11, v9;
	v22 =	vld [tilespmem:s22+$0xFFFFFFB0];
	[tilespmem:s20+$0xFFFFFFB0] =	vst v17;
	v0 =	vpop (erf)  }
0x4a: {  	v11 =	vsel vm3, v14, v4;
	v12 =	vsel vm2, v12, v1;
	v23 =	vld [tilespmem:s22+$0xFFFFFFC0];
	[tilespmem:s20+$0xFFFFFFC0] =	vst v2;
	v14 =	vsel vm0, v15, v0;
	v0 =	vpop (erf)  }
0x4b: {  	v24 =	vld [tilespmem:s22+$0xFFFFFFD0];
	v2 =	vmul.f32 $1.442695020e+00, v26;
	v1 =	vsel vm1, v13, v0;
	[tilespmem:s20+$0xFFFFFFD0] =	vst v3  }
0x4c: {  	vm0 =	vgt.f32 v16, $0.0e+00;
	v0 =	vadd.f32 $1.000000000e+00, v16;
	v3 =	vmul.f32 $1.442695020e+00, v16;
	v25 =	vld [tilespmem:s22+$0xFFFFFFE0];
	[tilespmem:s20+$0xFFFFFF80] =	vst v1  }
0x4d: {  	v1 =	vadd.f32 $1.000000000e+00, v27;
	v4 =	vmul.f32 $1.442695020e+00, v27;
	v28 =	vld [tilespmem:s22+$0xFFFFFFF0];
	(erf) = vpow2.f32 v2;
	[tilespmem:s20+$0xFFFFFFE0] =	vst v5  }
0x4e: {  	v2 =	vadd.f32 $1.000000000e+00, v22;
	v5 =	vmul.f32 $1.442695020e+00, v22;
	v29 =	vld [tilespmem:s22+$0x0];
	(erf) = vpow2.f32 v3;
	[tilespmem:s20+$0xFFFFFFF0] =	vst v6  }
0x4f: {  	v3 =	vadd.f32 $1.000000000e+00, v23;
	v6 =	vmul.f32 $1.442695020e+00, v23;
	v30 =	vld [tilespmem:s22+$0x10];
	(erf) = vpow2.f32 v4;
	[tilespmem:s20+$0x0] =	vst v7  }
0x50: {  	v4 =	vadd.f32 $1.000000000e+00, v24;
	v7 =	vmul.f32 $1.442695020e+00, v24;
	v31 =	vld [tilespmem:s22+$0x20];
	(erf) = vpow2.f32 v5;
	[tilespmem:s20+$0x10] =	vst v8  }
0x51: {  	v5 =	vadd.f32 $1.000000000e+00, v25;
	v8 =	vmul.f32 $1.442695020e+00, v25;
	v32 =	vld [tilespmem:s22+$0x30];
	(erf) = vpow2.f32 v6;
	[tilespmem:s20+$0x20] =	vst v10  }
0x52: {  	v6 =	vadd.f32 $1.000000000e+00, v28;
	v10 =	vmul.f32 $1.442695020e+00, v28;
	v33 =	vld [tilespmem:s22+$0x40];
	(erf) = vpow2.f32 v7;
	[tilespmem:s20+$0x30] =	vst v9  }
0x53: {  	v7 =	vadd.f32 $1.000000000e+00, v29;
	v13 =	vmul.f32 $1.442695020e+00, v29;
	v34 =	vld [tilespmem:s22+$0x50];
	(erf) = vpow2.f32 v8;
	[tilespmem:s20+$0x40] =	vst v11  }
0x54: {  	v8 =	vadd.f32 $1.000000000e+00, v30;
	v17 =	vmul.f32 $1.442695020e+00, v30;
	v9 =	vld [tilespmem:s22+$0x60];
	(erf) = vpow2.f32 v10;
	[tilespmem:s20+$0x50] =	vst v12  }
0x55: {  	v12 =	vadd.f32 $1.000000000e+00, v26;
	v15 =	vld [tilespmem:s22+$0xFFFFFF80];
	v10 =	vmul.f32 $1.442695020e+00, v31;
	(erf) = vpow2.f32 v13;
	[tilespmem:s20+$0x60] =	vst v14;
	s20 =	smov.u32 s22  }
0x56: {  	vm1 =	vgt.f32 v26, $0.0e+00;
	v13 =	vmul.f32 $1.442695020e+00, v32;
	(erf) = vpow2.f32 v17;
	v11 =	vpop (erf)  }
0x57: {  	v14 =	vmul.f32 $1.442695020e+00, v33;
	v11 =	vsel vm1, v12, v11;
	v16 =	vpop (erf);
	(erf) = vpow2.f32 v10  }
0x58: {  	v10 =	vadd.f32 $1.000000000e+00, v31;
	v12 =	vmul.f32 $1.442695020e+00, v34;
	[tilespmem:s22+$0x70] =	vst v11;
	v18 =	vpop (erf);
	(erf) = vpow2.f32 v13  }
0x59: {  	v11 =	vadd.f32 $1.000000000e+00, v32;
	v35 =	vmul.f32 $1.442695020e+00, v9;
	v17 =	vpop (erf);
	(erf) = vpow2.f32 v14  }
0x5a: {  	v13 =	vadd.f32 $1.000000000e+00, v15;
	v26 =	vmul.f32 $1.442695020e+00, v15;
	v19 =	vpop (erf);
	(erf) = vpow2.f32 v12  }
0x5b: {  	v14 =	vadd.f32 $1.000000000e+00, v33;
	v12 =	vadd.f32 $1.000000000e+00, v34;
	v20 =	vpop (erf);
	(erf) = vpow2.f32 v35  }
.Ltmp0:
0x5c: {  	vm1 =	vgt.f32 v15, $0.0e+00;
	v15 =	vadd.f32 $1.000000000e+00, v9;
	(erf) = vpow2.f32 v26;
	v21 =	vpop (erf);
	(pc) =	sbr.rel @p0 .LBB2_2-.Ltmp0, $4  }
0x5d: {  	vm13 =	vgt.f32 v27, $0.0e+00;
	vm12 =	vgt.f32 v22, $0.0e+00;
	vm10 =	vgt.f32 v23, $0.0e+00;
	v22 =	vpop (erf)  }
0x5e: {  	vm11 =	vgt.f32 v24, $0.0e+00;
	vm8 =	vgt.f32 v25, $0.0e+00;
	vm6 =	vgt.f32 v28, $0.0e+00;
	v23 =	vpop (erf)  }
0x5f: {  	vm9 =	vgt.f32 v29, $0.0e+00;
	vm5 =	vgt.f32 v30, $0.0e+00;
	vm4 =	vgt.f32 v31, $0.0e+00;
	v24 =	vpop (erf)  }
0x60: {  	vm7 =	vgt.f32 v32, $0.0e+00;
	vm3 =	vgt.f32 v33, $0.0e+00;
	vm2 =	vgt.f32 v34, $0.0e+00;
	s22 =	sadd.s32 $0x100, s22;
	v25 =	vpop (erf)  }
0x61: {  	v0 =	vsel vm0, v0, v16  }
0x62: {  	v1 =	vsel vm13, v1, v18;
	[tilespmem:s20+$0xFFFFFF90] =	vst v0  }
0x63: {  	v2 =	vsel vm12, v2, v17;
	[tilespmem:s20+$0xFFFFFFA0] =	vst v1  }
0x64: {  	v3 =	vsel vm10, v3, v19;
	[tilespmem:s20+$0xFFFFFFB0] =	vst v2  }
0x65: {  	v4 =	vsel vm11, v4, v20;
	[tilespmem:s20+$0xFFFFFFC0] =	vst v3  }
0x66: {  	[tilespmem:s20+$0xFFFFFFD0] =	vst v4;
	v4 =	vsel vm8, v5, v21  }
0x67: {  	v16 =	vpop (erf);
	[tilespmem:s20+$0xFFFFFFE0] =	vst v4;
	v4 =	vsel vm9, v7, v23  }
0x68: {  	v0 =	vpop (erf);
	[tilespmem:s20+$0x0] =	vst v4;
	v4 =	vsel vm4, v10, v25  }
0x69: {  	v1 =	vpop (erf);
	[tilespmem:s20+$0x20] =	vst v4;
	v0 =	vsel vm3, v14, v0  }
0x6a: {  	vm0 =	vgt.f32 v9, $0.0e+00;
	v2 =	vpop (erf);
	v1 =	vsel vm2, v12, v1;
	[tilespmem:s20+$0x40] =	vst v0  }
0x6b: {  	v3 =	vpop (erf);
	v0 =	vsel vm0, v15, v2;
	[tilespmem:s20+$0x50] =	vst v1  }
0x6c: {  	v3 =	vsel vm1, v13, v3;
	[tilespmem:s20+$0x60] =	vst v0  }
0x6d: {  	[tilespmem:s20+$0xFFFFFF80] =	vst v3;
	v3 =	vsel vm6, v6, v22  }
0x6e: {  	[tilespmem:s20+$0xFFFFFFF0] =	vst v3;
	v3 =	vsel vm5, v8, v24  }
0x6f: {  	[tilespmem:s20+$0x10] =	vst v3;
	v3 =	vsel vm7, v11, v16  }
0x70: {  	[tilespmem:s20+$0x30] =	vst v3  }
0x71: {  	[hbm4b:s7+s25] =	stream.strided.scatter [tilespmem:s18], [sflag:$0x4], $0x4000, s26, s25, $0x38;
	[tilespmem:$0x18200] =	vst v63  }
0x72: {  	_ =	swait.ge [sflag:s28], $0x4000  }
0x73: {  	[sflag:s28] =	ssyncset.done $0x0  }
0x74: {  	[sflag:s28] =	ssyncadd.s32 $0xFFFFC000  }
0x75: {  	_ =	swait.ge [sflag:s28], $0x4000  }
0x76: {  	[sflag:s28] =	ssyncset.done $0x0  }
0x77: {  	[sflag:s28] =	ssyncadd.s32 $0xFFFFC000  }
0x78: {  	[tilespmem:s17], [sflag:$0x1] =	stream.indirect.gather [hbm4b:s1+s16], $0x80, s29, s16, $0xb8;
	[tilespmem:$0x18200] =	vst v63  }
0x79: {  	_ = 	snop  }
0x7a: {  	[tilespmem:s18], [sflag:$0x1] =	stream.indirect.gather [hbm4b:s2+s16], $0x80, s29, s16, $0xb8;
	[tilespmem:$0x18200] =	vst v63  }
0x7b: {  	_ =	swait.ge [sflag:s30], $0x4000  }
0x7c: {  	[sflag:s30] =	ssyncset.done $0x0  }
0x7d: {  	s22 =	simm.s32 $0x4200;
	[sflag:s30] =	ssyncadd.s32 $0xFFFFC000  }
0x7e: {  	[hbm4b:s8+s25] =	stream.strided.scatter [tilespmem:s22], [sflag:$0x5], $0x4000, s26, s25, $0x38;
	[tilespmem:$0x18200] =	vst v63  }
0x7f: {  	_ =	swait.ge [sflag:s30], $0x4000  }
0x80: {  	[sflag:s30] =	ssyncset.done $0x0  }
0x81: {  	s20 =	simm.s32 $0x10200;
	[sflag:s30] =	ssyncadd.s32 $0xFFFFC000  }
0x82: {  	v10 =	vld [tilespmem:s20+$0xF0]  }
0x83: {  	v1 =	vld [tilespmem:s20+$0x10]  }
0x84: {  	v22 =	vld [tilespmem:s20+$0x20]  }
0x85: {  	v23 =	vld [tilespmem:s20+$0x30]  }
0x86: {  	v24 =	vld [tilespmem:s20+$0x40]  }
0x87: {  	v25 =	vld [tilespmem:s20+$0x50]  }
0x88: {  	v26 =	vld [tilespmem:s20+$0x60]  }
0x89: {  	v27 =	vld [tilespmem:s20+$0x70];
	v2 =	vmul.f32 $1.442695020e+00, v10  }
0x8a: {  	v28 =	vld [tilespmem:s20+$0x80];
	v3 =	vmul.f32 $1.442695020e+00, v1;
	v4 =	vmul.f32 $1.442695020e+00, v22  }
0x8b: {  	v29 =	vld [tilespmem:s20+$0x90];
	v5 =	vmul.f32 $1.442695020e+00, v23;
	v6 =	vmul.f32 $1.442695020e+00, v24  }
0x8c: {  	v9 =	vld [tilespmem:s20+$0xE0];
	v7 =	vmul.f32 $1.442695020e+00, v25;
	(erf) = vpow2.f32 v2  }
0x8d: {  	v15 =	vld [tilespmem:s20+$0x0];
	vm0 =	vgt.f32 v1, $0.0e+00;
	v8 =	vmul.f32 $1.442695020e+00, v26;
	(erf) = vpow2.f32 v3  }
0x8e: {  	v0 =	vadd.f32 $1.000000000e+00, v1;
	v11 =	vmul.f32 $1.442695020e+00, v27;
	(erf) = vpow2.f32 v4  }
0x8f: {  	v30 =	vld [tilespmem:s20+$0xA0];
	v1 =	vadd.f32 $1.000000000e+00, v22;
	v12 =	vmul.f32 $1.442695020e+00, v28;
	(erf) = vpow2.f32 v5  }
0x90: {  	v31 =	vld [tilespmem:s20+$0xB0];
	v13 =	vmul.f32 $1.442695020e+00, v29;
	v14 =	vadd.f32 $1.000000000e+00, v10;
	(erf) = vpow2.f32 v6  }
0x91: {  	v32 =	vld [tilespmem:s20+$0xC0];
	vm1 =	vgt.f32 v10, $0.0e+00;
	v20 =	vmul.f32 $1.442695020e+00, v9;
	(erf) = vpow2.f32 v7  }
0x92: {  	v33 =	vld [tilespmem:s20+$0xD0];
	v21 =	vmul.f32 $1.442695020e+00, v15;
	vm13 =	vgt.f32 v22, $0.0e+00;
	(erf) = vpow2.f32 v8  }
0x93: {  	vm12 =	vgt.f32 v23, $0.0e+00;
	vm10 =	vgt.f32 v24, $0.0e+00;
	(erf) = vpow2.f32 v11  }
0x94: {  	vm11 =	vgt.f32 v25, $0.0e+00;
	v11 =	vmul.f32 $1.442695020e+00, v30;
	(erf) = vpow2.f32 v12  }
0x95: {  	vm8 =	vgt.f32 v26, $0.0e+00;
	v12 =	vmul.f32 $1.442695020e+00, v31;
	(erf) = vpow2.f32 v13;
	v10 =	vpop (erf)  }
0x96: {  	vm6 =	vgt.f32 v27, $0.0e+00;
	v13 =	vmul.f32 $1.442695020e+00, v32;
	v16 =	vpop (erf);
	(erf) = vpow2.f32 v11  }
0x97: {  	v34 =	vsel vm1, v14, v10;
	v14 =	vmul.f32 $1.442695020e+00, v33;
	v18 =	vpop (erf);
	(erf) = vpow2.f32 v12  }
0x98: {  	vm9 =	vgt.f32 v28, $0.0e+00;
	vm5 =	vgt.f32 v29, $0.0e+00;
	v17 =	vpop (erf);
	(erf) = vpow2.f32 v13  }
0x99: {  	vm4 =	vgt.f32 v30, $0.0e+00;
	v2 =	vadd.f32 $1.000000000e+00, v23;
	v19 =	vpop (erf);
	(erf) = vpow2.f32 v14  }
0x9a: {  	v3 =	vadd.f32 $1.000000000e+00, v24;
	v4 =	vadd.f32 $1.000000000e+00, v25;
	(erf) = vpow2.f32 v20;
	v20 =	vpop (erf)  }
0x9b: {  	v5 =	vadd.f32 $1.000000000e+00, v26;
	v6 =	vadd.f32 $1.000000000e+00, v27;
	(erf) = vpow2.f32 v21;
	v21 =	vpop (erf)  }
0x9c: {  	vm7 =	vgt.f32 v31, $0.0e+00;
	v7 =	vadd.f32 $1.000000000e+00, v28;
	v8 =	vadd.f32 $1.000000000e+00, v29;
	v22 =	vpop (erf)  }
0x9d: {  	vm3 =	vgt.f32 v32, $0.0e+00;
	v10 =	vadd.f32 $1.000000000e+00, v30;
	v11 =	vadd.f32 $1.000000000e+00, v31;
	v23 =	vpop (erf)  }
0x9e: {  	vm2 =	vgt.f32 v33, $0.0e+00;
	v12 =	vadd.f32 $1.000000000e+00, v33;
	v13 =	vadd.f32 $1.000000000e+00, v15;
	v24 =	vpop (erf)  }
0x9f: {  	s21 =	simm.s32 $0x0;
	s22 =	simm.s32 $0x10300;
	vm1 =	vgt.f32 v15, $0.0e+00;
	[tilespmem:s20+$0xF0] =	vst v34;
	v15 =	vadd.f32 $1.000000000e+00, v9;
	v14 =	vadd.f32 $1.000000000e+00, v32;
	v25 =	vpop (erf)  }
.LBB2_4:
0xa0: {  	v26 =	vld [tilespmem:s22+$0xF0];
	s21 =	sadd.s32 $0x2, s21;
	v0 =	vsel vm0, v0, v16;
	v18 =	vsel vm13, v1, v18;
	vm0 =	vgt.f32 v9, $0.0e+00;
	v9 =	vpop (erf)  }
0xa1: {  	v17 =	vsel vm12, v2, v17;
	v2 =	vsel vm10, v3, v19;
	v3 =	vsel vm11, v4, v20;
	v16 =	vld [tilespmem:s22+$0x10];
	p0 =	slt.u32 s21, $0x7E;
	[tilespmem:s20+$0x10] =	vst v0;
	v4 =	vpop (erf)  }
0xa2: {  	v5 =	vsel vm8, v5, v21;
	v6 =	vsel vm6, v6, v22;
	v7 =	vsel vm9, v7, v23;
	v27 =	vld [tilespmem:s22+$0x20];
	[tilespmem:s20+$0x20] =	vst v18;
	v1 =	vpop (erf)  }
0xa3: {  	v8 =	vsel vm5, v8, v24;
	v10 =	vsel vm4, v10, v25;
	v9 =	vsel vm7, v11, v9;
	v22 =	vld [tilespmem:s22+$0x30];
	[tilespmem:s20+$0x30] =	vst v17;
	v0 =	vpop (erf)  }
0xa4: {  	v11 =	vsel vm3, v14, v4;
	v12 =	vsel vm2, v12, v1;
	v23 =	vld [tilespmem:s22+$0x40];
	[tilespmem:s20+$0x40] =	vst v2;
	v14 =	vsel vm0, v15, v0;
	v0 =	vpop (erf)  }
0xa5: {  	v24 =	vld [tilespmem:s22+$0x50];
	v2 =	vmul.f32 $1.442695020e+00, v26;
	v1 =	vsel vm1, v13, v0;
	[tilespmem:s20+$0x50] =	vst v3  }
0xa6: {  	vm0 =	vgt.f32 v16, $0.0e+00;
	v0 =	vadd.f32 $1.000000000e+00, v16;
	v3 =	vmul.f32 $1.442695020e+00, v16;
	v25 =	vld [tilespmem:s22+$0x60];
	[tilespmem:s20+$0x0] =	vst v1  }
0xa7: {  	v1 =	vadd.f32 $1.000000000e+00, v27;
	v4 =	vmul.f32 $1.442695020e+00, v27;
	v28 =	vld [tilespmem:s22+$0x70];
	(erf) = vpow2.f32 v2;
	[tilespmem:s20+$0x60] =	vst v5  }
0xa8: {  	v2 =	vadd.f32 $1.000000000e+00, v22;
	v5 =	vmul.f32 $1.442695020e+00, v22;
	v29 =	vld [tilespmem:s22+$0x80];
	(erf) = vpow2.f32 v3;
	[tilespmem:s20+$0x70] =	vst v6  }
0xa9: {  	v3 =	vadd.f32 $1.000000000e+00, v23;
	v6 =	vmul.f32 $1.442695020e+00, v23;
	v30 =	vld [tilespmem:s22+$0x90];
	(erf) = vpow2.f32 v4;
	[tilespmem:s20+$0x80] =	vst v7  }
0xaa: {  	v4 =	vadd.f32 $1.000000000e+00, v24;
	v7 =	vmul.f32 $1.442695020e+00, v24;
	v31 =	vld [tilespmem:s22+$0xA0];
	(erf) = vpow2.f32 v5;
	[tilespmem:s20+$0x90] =	vst v8  }
0xab: {  	v5 =	vadd.f32 $1.000000000e+00, v25;
	v8 =	vmul.f32 $1.442695020e+00, v25;
	v32 =	vld [tilespmem:s22+$0xB0];
	(erf) = vpow2.f32 v6;
	[tilespmem:s20+$0xA0] =	vst v10  }
0xac: {  	v6 =	vadd.f32 $1.000000000e+00, v28;
	v10 =	vmul.f32 $1.442695020e+00, v28;
	v33 =	vld [tilespmem:s22+$0xC0];
	(erf) = vpow2.f32 v7;
	[tilespmem:s20+$0xB0] =	vst v9  }
0xad: {  	v7 =	vadd.f32 $1.000000000e+00, v29;
	v13 =	vmul.f32 $1.442695020e+00, v29;
	v34 =	vld [tilespmem:s22+$0xD0];
	(erf) = vpow2.f32 v8;
	[tilespmem:s20+$0xC0] =	vst v11  }
0xae: {  	v8 =	vadd.f32 $1.000000000e+00, v30;
	v17 =	vmul.f32 $1.442695020e+00, v30;
	v9 =	vld [tilespmem:s22+$0xE0];
	(erf) = vpow2.f32 v10;
	[tilespmem:s20+$0xD0] =	vst v12  }
0xaf: {  	v12 =	vadd.f32 $1.000000000e+00, v26;
	v15 =	vld [tilespmem:s22+$0x0];
	v10 =	vmul.f32 $1.442695020e+00, v31;
	(erf) = vpow2.f32 v13;
	[tilespmem:s20+$0xE0] =	vst v14;
	s20 =	smov.u32 s22  }
0xb0: {  	vm1 =	vgt.f32 v26, $0.0e+00;
	v13 =	vmul.f32 $1.442695020e+00, v32;
	(erf) = vpow2.f32 v17;
	v11 =	vpop (erf)  }
0xb1: {  	v14 =	vmul.f32 $1.442695020e+00, v33;
	v11 =	vsel vm1, v12, v11;
	v16 =	vpop (erf);
	(erf) = vpow2.f32 v10  }
0xb2: {  	v10 =	vadd.f32 $1.000000000e+00, v31;
	v12 =	vmul.f32 $1.442695020e+00, v34;
	[tilespmem:s22+$0xF0] =	vst v11;
	v18 =	vpop (erf);
	(erf) = vpow2.f32 v13  }
0xb3: {  	v11 =	vadd.f32 $1.000000000e+00, v32;
	v35 =	vmul.f32 $1.442695020e+00, v9;
	v17 =	vpop (erf);
	(erf) = vpow2.f32 v14  }
0xb4: {  	v13 =	vadd.f32 $1.000000000e+00, v15;
	v26 =	vmul.f32 $1.442695020e+00, v15;
	v19 =	vpop (erf);
	(erf) = vpow2.f32 v12  }
0xb5: {  	v14 =	vadd.f32 $1.000000000e+00, v33;
	v12 =	vadd.f32 $1.000000000e+00, v34;
	v20 =	vpop (erf);
	(erf) = vpow2.f32 v35  }
.Ltmp1:
0xb6: {  	vm1 =	vgt.f32 v15, $0.0e+00;
	v15 =	vadd.f32 $1.000000000e+00, v9;
	(erf) = vpow2.f32 v26;
	v21 =	vpop (erf);
	(pc) =	sbr.rel @p0 .LBB2_4-.Ltmp1, $4  }
0xb7: {  	vm13 =	vgt.f32 v27, $0.0e+00;
	vm12 =	vgt.f32 v22, $0.0e+00;
	vm10 =	vgt.f32 v23, $0.0e+00;
	v22 =	vpop (erf)  }
0xb8: {  	vm11 =	vgt.f32 v24, $0.0e+00;
	vm8 =	vgt.f32 v25, $0.0e+00;
	vm6 =	vgt.f32 v28, $0.0e+00;
	v23 =	vpop (erf)  }
0xb9: {  	vm9 =	vgt.f32 v29, $0.0e+00;
	vm5 =	vgt.f32 v30, $0.0e+00;
	vm4 =	vgt.f32 v31, $0.0e+00;
	v24 =	vpop (erf)  }
0xba: {  	vm7 =	vgt.f32 v32, $0.0e+00;
	vm3 =	vgt.f32 v33, $0.0e+00;
	vm2 =	vgt.f32 v34, $0.0e+00;
	s22 =	sadd.s32 $0x100, s22;
	v25 =	vpop (erf)  }
0xbb: {  	v0 =	vsel vm0, v0, v16  }
0xbc: {  	v1 =	vsel vm13, v1, v18;
	[tilespmem:s20+$0x10] =	vst v0  }
0xbd: {  	v2 =	vsel vm12, v2, v17;
	[tilespmem:s20+$0x20] =	vst v1  }
0xbe: {  	v3 =	vsel vm10, v3, v19;
	[tilespmem:s20+$0x30] =	vst v2  }
0xbf: {  	v4 =	vsel vm11, v4, v20;
	[tilespmem:s20+$0x40] =	vst v3  }
0xc0: {  	[tilespmem:s20+$0x50] =	vst v4;
	v4 =	vsel vm8, v5, v21  }
0xc1: {  	v16 =	vpop (erf);
	[tilespmem:s20+$0x60] =	vst v4;
	v4 =	vsel vm9, v7, v23  }
0xc2: {  	v0 =	vpop (erf);
	[tilespmem:s20+$0x80] =	vst v4;
	v4 =	vsel vm4, v10, v25  }
0xc3: {  	v1 =	vpop (erf);
	[tilespmem:s20+$0xA0] =	vst v4;
	v0 =	vsel vm3, v14, v0  }
0xc4: {  	vm0 =	vgt.f32 v9, $0.0e+00;
	v2 =	vpop (erf);
	v1 =	vsel vm2, v12, v1;
	[tilespmem:s20+$0xC0] =	vst v0  }
0xc5: {  	v3 =	vpop (erf);
	v0 =	vsel vm0, v15, v2;
	[tilespmem:s20+$0xD0] =	vst v1  }
0xc6: {  	v3 =	vsel vm1, v13, v3;
	[tilespmem:s20+$0xE0] =	vst v0  }
0xc7: {  	[tilespmem:s20+$0x0] =	vst v3;
	v3 =	vsel vm6, v6, v22  }
0xc8: {  	[tilespmem:s20+$0x70] =	vst v3;
	v3 =	vsel vm5, v8, v24  }
0xc9: {  	[tilespmem:s20+$0x90] =	vst v3;
	v3 =	vsel vm7, v11, v16  }
0xca: {  	s21 =	simm.s32 $0x10200;
	[tilespmem:s20+$0xB0] =	vst v3  }
0xcb: {  	[hbm4b:s9+s25] =	stream.strided.scatter [tilespmem:s21], [sflag:$0x5], $0x4000, s26, s25, $0x38;
	[tilespmem:$0x18200] =	vst v63  }
0xcc: {  	_ =	swait.ge [sflag:s31], $0x4000  }
0xcd: {  	[sflag:s31] =	ssyncset.done $0x0  }
0xce: {  	s22 =	simm.s32 $0x8200;
	[sflag:s31] =	ssyncadd.s32 $0xFFFFC000  }
0xcf: {  	[hbm4b:s10+s25] =	stream.strided.scatter [tilespmem:s22], [sflag:$0x6], $0x4000, s26, s25, $0x38;
	[tilespmem:$0x18200] =	vst v63  }
0xd0: {  	_ =	swait.ge [sflag:s31], $0x4000  }
0xd1: {  	[sflag:s31] =	ssyncset.done $0x0  }
0xd2: {  	s20 =	simm.s32 $0x14200;
	[sflag:s31] =	ssyncadd.s32 $0xFFFFC000  }
0xd3: {  	v10 =	vld [tilespmem:s20+$0xF0]  }
0xd4: {  	v1 =	vld [tilespmem:s20+$0x10]  }
0xd5: {  	v22 =	vld [tilespmem:s20+$0x20]  }
0xd6: {  	v23 =	vld [tilespmem:s20+$0x30]  }
0xd7: {  	v24 =	vld [tilespmem:s20+$0x40]  }
0xd8: {  	v25 =	vld [tilespmem:s20+$0x50]  }
0xd9: {  	v26 =	vld [tilespmem:s20+$0x60]  }
0xda: {  	v27 =	vld [tilespmem:s20+$0x70];
	v2 =	vmul.f32 $1.442695020e+00, v10  }
0xdb: {  	v28 =	vld [tilespmem:s20+$0x80];
	v3 =	vmul.f32 $1.442695020e+00, v1;
	v4 =	vmul.f32 $1.442695020e+00, v22  }
0xdc: {  	v29 =	vld [tilespmem:s20+$0x90];
	v5 =	vmul.f32 $1.442695020e+00, v23;
	v6 =	vmul.f32 $1.442695020e+00, v24  }
0xdd: {  	v9 =	vld [tilespmem:s20+$0xE0];
	v7 =	vmul.f32 $1.442695020e+00, v25;
	(erf) = vpow2.f32 v2  }
0xde: {  	v15 =	vld [tilespmem:s20+$0x0];
	vm0 =	vgt.f32 v1, $0.0e+00;
	v8 =	vmul.f32 $1.442695020e+00, v26;
	(erf) = vpow2.f32 v3  }
0xdf: {  	v0 =	vadd.f32 $1.000000000e+00, v1;
	v11 =	vmul.f32 $1.442695020e+00, v27;
	(erf) = vpow2.f32 v4  }
0xe0: {  	v30 =	vld [tilespmem:s20+$0xA0];
	v1 =	vadd.f32 $1.000000000e+00, v22;
	v12 =	vmul.f32 $1.442695020e+00, v28;
	(erf) = vpow2.f32 v5  }
0xe1: {  	v31 =	vld [tilespmem:s20+$0xB0];
	v13 =	vmul.f32 $1.442695020e+00, v29;
	v14 =	vadd.f32 $1.000000000e+00, v10;
	(erf) = vpow2.f32 v6  }
0xe2: {  	v32 =	vld [tilespmem:s20+$0xC0];
	vm1 =	vgt.f32 v10, $0.0e+00;
	v20 =	vmul.f32 $1.442695020e+00, v9;
	(erf) = vpow2.f32 v7  }
0xe3: {  	v33 =	vld [tilespmem:s20+$0xD0];
	v21 =	vmul.f32 $1.442695020e+00, v15;
	vm13 =	vgt.f32 v22, $0.0e+00;
	(erf) = vpow2.f32 v8  }
0xe4: {  	vm12 =	vgt.f32 v23, $0.0e+00;
	vm10 =	vgt.f32 v24, $0.0e+00;
	(erf) = vpow2.f32 v11  }
0xe5: {  	vm11 =	vgt.f32 v25, $0.0e+00;
	v11 =	vmul.f32 $1.442695020e+00, v30;
	(erf) = vpow2.f32 v12  }
0xe6: {  	vm8 =	vgt.f32 v26, $0.0e+00;
	v12 =	vmul.f32 $1.442695020e+00, v31;
	(erf) = vpow2.f32 v13;
	v10 =	vpop (erf)  }
0xe7: {  	vm6 =	vgt.f32 v27, $0.0e+00;
	v13 =	vmul.f32 $1.442695020e+00, v32;
	v16 =	vpop (erf);
	(erf) = vpow2.f32 v11  }
0xe8: {  	v34 =	vsel vm1, v14, v10;
	v14 =	vmul.f32 $1.442695020e+00, v33;
	v18 =	vpop (erf);
	(erf) = vpow2.f32 v12  }
0xe9: {  	vm9 =	vgt.f32 v28, $0.0e+00;
	vm5 =	vgt.f32 v29, $0.0e+00;
	v17 =	vpop (erf);
	(erf) = vpow2.f32 v13  }
0xea: {  	vm4 =	vgt.f32 v30, $0.0e+00;
	v2 =	vadd.f32 $1.000000000e+00, v23;
	v19 =	vpop (erf);
	(erf) = vpow2.f32 v14  }
0xeb: {  	v3 =	vadd.f32 $1.000000000e+00, v24;
	v4 =	vadd.f32 $1.000000000e+00, v25;
	(erf) = vpow2.f32 v20;
	v20 =	vpop (erf)  }
0xec: {  	v5 =	vadd.f32 $1.000000000e+00, v26;
	v6 =	vadd.f32 $1.000000000e+00, v27;
	(erf) = vpow2.f32 v21;
	v21 =	vpop (erf)  }
0xed: {  	vm7 =	vgt.f32 v31, $0.0e+00;
	v7 =	vadd.f32 $1.000000000e+00, v28;
	v8 =	vadd.f32 $1.000000000e+00, v29;
	v22 =	vpop (erf)  }
0xee: {  	vm3 =	vgt.f32 v32, $0.0e+00;
	v10 =	vadd.f32 $1.000000000e+00, v30;
	v11 =	vadd.f32 $1.000000000e+00, v31;
	v23 =	vpop (erf)  }
0xef: {  	vm2 =	vgt.f32 v33, $0.0e+00;
	v12 =	vadd.f32 $1.000000000e+00, v33;
	v13 =	vadd.f32 $1.000000000e+00, v15;
	v24 =	vpop (erf)  }
0xf0: {  	s21 =	simm.s32 $0x0;
	s22 =	simm.s32 $0x14300;
	vm1 =	vgt.f32 v15, $0.0e+00;
	[tilespmem:s20+$0xF0] =	vst v34;
	v15 =	vadd.f32 $1.000000000e+00, v9;
	v14 =	vadd.f32 $1.000000000e+00, v32;
	v25 =	vpop (erf)  }
.LBB2_6:
0xf1: {  	v26 =	vld [tilespmem:s22+$0xF0];
	s21 =	sadd.s32 $0x2, s21;
	v0 =	vsel vm0, v0, v16;
	v18 =	vsel vm13, v1, v18;
	vm0 =	vgt.f32 v9, $0.0e+00;
	v9 =	vpop (erf)  }
0xf2: {  	v17 =	vsel vm12, v2, v17;
	v2 =	vsel vm10, v3, v19;
	v3 =	vsel vm11, v4, v20;
	v16 =	vld [tilespmem:s22+$0x10];
	p0 =	slt.u32 s21, $0x7E;
	[tilespmem:s20+$0x10] =	vst v0;
	v4 =	vpop (erf)  }
0xf3: {  	v5 =	vsel vm8, v5, v21;
	v6 =	vsel vm6, v6, v22;
	v7 =	vsel vm9, v7, v23;
	v27 =	vld [tilespmem:s22+$0x20];
	[tilespmem:s20+$0x20] =	vst v18;
	v1 =	vpop (erf)  }
0xf4: {  	v8 =	vsel vm5, v8, v24;
	v10 =	vsel vm4, v10, v25;
	v9 =	vsel vm7, v11, v9;
	v22 =	vld [tilespmem:s22+$0x30];
	[tilespmem:s20+$0x30] =	vst v17;
	v0 =	vpop (erf)  }
0xf5: {  	v11 =	vsel vm3, v14, v4;
	v12 =	vsel vm2, v12, v1;
	v23 =	vld [tilespmem:s22+$0x40];
	[tilespmem:s20+$0x40] =	vst v2;
	v14 =	vsel vm0, v15, v0;
	v0 =	vpop (erf)  }
0xf6: {  	v24 =	vld [tilespmem:s22+$0x50];
	v2 =	vmul.f32 $1.442695020e+00, v26;
	v1 =	vsel vm1, v13, v0;
	[tilespmem:s20+$0x50] =	vst v3  }
0xf7: {  	vm0 =	vgt.f32 v16, $0.0e+00;
	v0 =	vadd.f32 $1.000000000e+00, v16;
	v3 =	vmul.f32 $1.442695020e+00, v16;
	v25 =	vld [tilespmem:s22+$0x60];
	[tilespmem:s20+$0x0] =	vst v1  }
0xf8: {  	v1 =	vadd.f32 $1.000000000e+00, v27;
	v4 =	vmul.f32 $1.442695020e+00, v27;
	v28 =	vld [tilespmem:s22+$0x70];
	(erf) = vpow2.f32 v2;
	[tilespmem:s20+$0x60] =	vst v5  }
0xf9: {  	v2 =	vadd.f32 $1.000000000e+00, v22;
	v5 =	vmul.f32 $1.442695020e+00, v22;
	v29 =	vld [tilespmem:s22+$0x80];
	(erf) = vpow2.f32 v3;
	[tilespmem:s20+$0x70] =	vst v6  }
0xfa: {  	v3 =	vadd.f32 $1.000000000e+00, v23;
	v6 =	vmul.f32 $1.442695020e+00, v23;
	v30 =	vld [tilespmem:s22+$0x90];
	(erf) = vpow2.f32 v4;
	[tilespmem:s20+$0x80] =	vst v7  }
0xfb: {  	v4 =	vadd.f32 $1.000000000e+00, v24;
	v7 =	vmul.f32 $1.442695020e+00, v24;
	v31 =	vld [tilespmem:s22+$0xA0];
	(erf) = vpow2.f32 v5;
	[tilespmem:s20+$0x90] =	vst v8  }
0xfc: {  	v5 =	vadd.f32 $1.000000000e+00, v25;
	v8 =	vmul.f32 $1.442695020e+00, v25;
	v32 =	vld [tilespmem:s22+$0xB0];
	(erf) = vpow2.f32 v6;
	[tilespmem:s20+$0xA0] =	vst v10  }
0xfd: {  	v6 =	vadd.f32 $1.000000000e+00, v28;
	v10 =	vmul.f32 $1.442695020e+00, v28;
	v33 =	vld [tilespmem:s22+$0xC0];
	(erf) = vpow2.f32 v7;
	[tilespmem:s20+$0xB0] =	vst v9  }
0xfe: {  	v7 =	vadd.f32 $1.000000000e+00, v29;
	v13 =	vmul.f32 $1.442695020e+00, v29;
	v34 =	vld [tilespmem:s22+$0xD0];
	(erf) = vpow2.f32 v8;
	[tilespmem:s20+$0xC0] =	vst v11  }
0xff: {  	v8 =	vadd.f32 $1.000000000e+00, v30;
	v17 =	vmul.f32 $1.442695020e+00, v30;
	v9 =	vld [tilespmem:s22+$0xE0];
	(erf) = vpow2.f32 v10;
	[tilespmem:s20+$0xD0] =	vst v12  }
0x100: {  	v12 =	vadd.f32 $1.000000000e+00, v26;
	v15 =	vld [tilespmem:s22+$0x0];
	v10 =	vmul.f32 $1.442695020e+00, v31;
	(erf) = vpow2.f32 v13;
	[tilespmem:s20+$0xE0] =	vst v14;
	s20 =	smov.u32 s22  }
0x101: {  	vm1 =	vgt.f32 v26, $0.0e+00;
	v13 =	vmul.f32 $1.442695020e+00, v32;
	(erf) = vpow2.f32 v17;
	v11 =	vpop (erf)  }
0x102: {  	v14 =	vmul.f32 $1.442695020e+00, v33;
	v11 =	vsel vm1, v12, v11;
	v16 =	vpop (erf);
	(erf) = vpow2.f32 v10  }
0x103: {  	v10 =	vadd.f32 $1.000000000e+00, v31;
	v12 =	vmul.f32 $1.442695020e+00, v34;
	[tilespmem:s22+$0xF0] =	vst v11;
	v18 =	vpop (erf);
	(erf) = vpow2.f32 v13  }
0x104: {  	v11 =	vadd.f32 $1.000000000e+00, v32;
	v35 =	vmul.f32 $1.442695020e+00, v9;
	v17 =	vpop (erf);
	(erf) = vpow2.f32 v14  }
0x105: {  	v13 =	vadd.f32 $1.000000000e+00, v15;
	v26 =	vmul.f32 $1.442695020e+00, v15;
	v19 =	vpop (erf);
	(erf) = vpow2.f32 v12  }
0x106: {  	v14 =	vadd.f32 $1.000000000e+00, v33;
	v12 =	vadd.f32 $1.000000000e+00, v34;
	v20 =	vpop (erf);
	(erf) = vpow2.f32 v35  }
.Ltmp2:
0x107: {  	vm1 =	vgt.f32 v15, $0.0e+00;
	v15 =	vadd.f32 $1.000000000e+00, v9;
	(erf) = vpow2.f32 v26;
	v21 =	vpop (erf);
	(pc) =	sbr.rel @p0 .LBB2_6-.Ltmp2, $4  }
0x108: {  	vm13 =	vgt.f32 v27, $0.0e+00;
	vm12 =	vgt.f32 v22, $0.0e+00;
	vm10 =	vgt.f32 v23, $0.0e+00;
	v22 =	vpop (erf)  }
0x109: {  	vm11 =	vgt.f32 v24, $0.0e+00;
	vm8 =	vgt.f32 v25, $0.0e+00;
	vm6 =	vgt.f32 v28, $0.0e+00;
	v23 =	vpop (erf)  }
0x10a: {  	vm9 =	vgt.f32 v29, $0.0e+00;
	vm5 =	vgt.f32 v30, $0.0e+00;
	vm4 =	vgt.f32 v31, $0.0e+00;
	v24 =	vpop (erf)  }
0x10b: {  	vm7 =	vgt.f32 v32, $0.0e+00;
	vm3 =	vgt.f32 v33, $0.0e+00;
	vm2 =	vgt.f32 v34, $0.0e+00;
	s22 =	sadd.s32 $0x100, s22;
	v25 =	vpop (erf)  }
0x10c: {  	v0 =	vsel vm0, v0, v16  }
0x10d: {  	v1 =	vsel vm13, v1, v18;
	[tilespmem:s20+$0x10] =	vst v0  }
0x10e: {  	v2 =	vsel vm12, v2, v17;
	[tilespmem:s20+$0x20] =	vst v1  }
0x10f: {  	v3 =	vsel vm10, v3, v19;
	[tilespmem:s20+$0x30] =	vst v2  }
0x110: {  	v4 =	vsel vm11, v4, v20;
	[tilespmem:s20+$0x40] =	vst v3  }
0x111: {  	[tilespmem:s20+$0x50] =	vst v4;
	v4 =	vsel vm8, v5, v21  }
0x112: {  	v16 =	vpop (erf);
	[tilespmem:s20+$0x60] =	vst v4;
	v4 =	vsel vm9, v7, v23  }
0x113: {  	v0 =	vpop (erf);
	[tilespmem:s20+$0x80] =	vst v4;
	v4 =	vsel vm4, v10, v25  }
0x114: {  	v1 =	vpop (erf);
	[tilespmem:s20+$0xA0] =	vst v4;
	v0 =	vsel vm3, v14, v0  }
0x115: {  	vm0 =	vgt.f32 v9, $0.0e+00;
	v2 =	vpop (erf);
	v1 =	vsel vm2, v12, v1;
	[tilespmem:s20+$0xC0] =	vst v0  }
0x116: {  	v3 =	vpop (erf);
	v0 =	vsel vm0, v15, v2;
	[tilespmem:s20+$0xD0] =	vst v1  }
0x117: {  	v3 =	vsel vm1, v13, v3;
	[tilespmem:s20+$0xE0] =	vst v0  }
0x118: {  	[tilespmem:s20+$0x0] =	vst v3;
	v3 =	vsel vm6, v6, v22  }
0x119: {  	[tilespmem:s20+$0x70] =	vst v3;
	v3 =	vsel vm5, v8, v24  }
0x11a: {  	[tilespmem:s20+$0x90] =	vst v3;
	v3 =	vsel vm7, v11, v16  }
0x11b: {  	[tilespmem:s20+$0xB0] =	vst v3  }
0x11c: {  	[hbm4b:s11+s25] =	stream.strided.scatter [tilespmem:s23], [sflag:$0x6], $0x4000, s26, s25, $0x38;
	[tilespmem:$0x18200] =	vst v63  }
0x11d: {  	_ =	swait.ge [sflag:s24], $0x4000  }
0x11e: {  	[sflag:s24] =	ssyncset.done $0x0  }
0x11f: {  	[sflag:s24] =	ssyncadd.s32 $0xFFFFC000  }
0x120: {  	[hbm4b:s12+s25] =	stream.strided.scatter [tilespmem:s17], [sflag:$0x4], $0x4000, s26, s25, $0x38;
	[tilespmem:$0x18200] =	vst v63  }
0x121: {  	_ =	swait.ge [sflag:s24], $0x4000  }
0x122: {  	[sflag:s24] =	ssyncset.done $0x0  }
0x123: {  	s20 =	simm.s32 $0xC280;
	[sflag:s24] =	ssyncadd.s32 $0xFFFFC000  }
0x124: {  	v10 =	vld [tilespmem:s20+$0x70]  }
0x125: {  	v1 =	vld [tilespmem:s20+$0xFFFFFF90]  }
0x126: {  	v22 =	vld [tilespmem:s20+$0xFFFFFFA0]  }
0x127: {  	v23 =	vld [tilespmem:s20+$0xFFFFFFB0]  }
0x128: {  	v24 =	vld [tilespmem:s20+$0xFFFFFFC0]  }
0x129: {  	v25 =	vld [tilespmem:s20+$0xFFFFFFD0]  }
0x12a: {  	v26 =	vld [tilespmem:s20+$0xFFFFFFE0]  }
0x12b: {  	v27 =	vld [tilespmem:s20+$0xFFFFFFF0];
	v2 =	vmul.f32 $1.442695020e+00, v10  }
0x12c: {  	v28 =	vld [tilespmem:s20+$0x0];
	v3 =	vmul.f32 $1.442695020e+00, v1;
	v4 =	vmul.f32 $1.442695020e+00, v22  }
0x12d: {  	v29 =	vld [tilespmem:s20+$0x10];
	v5 =	vmul.f32 $1.442695020e+00, v23;
	v6 =	vmul.f32 $1.442695020e+00, v24  }
0x12e: {  	v9 =	vld [tilespmem:s20+$0x60];
	v7 =	vmul.f32 $1.442695020e+00, v25;
	(erf) = vpow2.f32 v2  }
0x12f: {  	v15 =	vld [tilespmem:s20+$0xFFFFFF80];
	vm0 =	vgt.f32 v1, $0.0e+00;
	v8 =	vmul.f32 $1.442695020e+00, v26;
	(erf) = vpow2.f32 v3  }
0x130: {  	v0 =	vadd.f32 $1.000000000e+00, v1;
	v11 =	vmul.f32 $1.442695020e+00, v27;
	(erf) = vpow2.f32 v4  }
0x131: {  	v30 =	vld [tilespmem:s20+$0x20];
	v1 =	vadd.f32 $1.000000000e+00, v22;
	v12 =	vmul.f32 $1.442695020e+00, v28;
	(erf) = vpow2.f32 v5  }
0x132: {  	v31 =	vld [tilespmem:s20+$0x30];
	v13 =	vmul.f32 $1.442695020e+00, v29;
	v14 =	vadd.f32 $1.000000000e+00, v10;
	(erf) = vpow2.f32 v6  }
0x133: {  	v32 =	vld [tilespmem:s20+$0x40];
	vm1 =	vgt.f32 v10, $0.0e+00;
	v20 =	vmul.f32 $1.442695020e+00, v9;
	(erf) = vpow2.f32 v7  }
0x134: {  	v33 =	vld [tilespmem:s20+$0x50];
	v21 =	vmul.f32 $1.442695020e+00, v15;
	vm13 =	vgt.f32 v22, $0.0e+00;
	(erf) = vpow2.f32 v8  }
0x135: {  	vm12 =	vgt.f32 v23, $0.0e+00;
	vm10 =	vgt.f32 v24, $0.0e+00;
	(erf) = vpow2.f32 v11  }
0x136: {  	vm11 =	vgt.f32 v25, $0.0e+00;
	v11 =	vmul.f32 $1.442695020e+00, v30;
	(erf) = vpow2.f32 v12  }
0x137: {  	vm8 =	vgt.f32 v26, $0.0e+00;
	v12 =	vmul.f32 $1.442695020e+00, v31;
	(erf) = vpow2.f32 v13;
	v10 =	vpop (erf)  }
0x138: {  	vm6 =	vgt.f32 v27, $0.0e+00;
	v13 =	vmul.f32 $1.442695020e+00, v32;
	v16 =	vpop (erf);
	(erf) = vpow2.f32 v11  }
0x139: {  	v34 =	vsel vm1, v14, v10;
	v14 =	vmul.f32 $1.442695020e+00, v33;
	v18 =	vpop (erf);
	(erf) = vpow2.f32 v12  }
0x13a: {  	vm9 =	vgt.f32 v28, $0.0e+00;
	vm5 =	vgt.f32 v29, $0.0e+00;
	v17 =	vpop (erf);
	(erf) = vpow2.f32 v13  }
0x13b: {  	vm4 =	vgt.f32 v30, $0.0e+00;
	v2 =	vadd.f32 $1.000000000e+00, v23;
	v19 =	vpop (erf);
	(erf) = vpow2.f32 v14  }
0x13c: {  	v3 =	vadd.f32 $1.000000000e+00, v24;
	v4 =	vadd.f32 $1.000000000e+00, v25;
	(erf) = vpow2.f32 v20;
	v20 =	vpop (erf)  }
0x13d: {  	v5 =	vadd.f32 $1.000000000e+00, v26;
	v6 =	vadd.f32 $1.000000000e+00, v27;
	(erf) = vpow2.f32 v21;
	v21 =	vpop (erf)  }
0x13e: {  	vm7 =	vgt.f32 v31, $0.0e+00;
	v7 =	vadd.f32 $1.000000000e+00, v28;
	v8 =	vadd.f32 $1.000000000e+00, v29;
	v22 =	vpop (erf)  }
0x13f: {  	vm3 =	vgt.f32 v32, $0.0e+00;
	v10 =	vadd.f32 $1.000000000e+00, v30;
	v11 =	vadd.f32 $1.000000000e+00, v31;
	v23 =	vpop (erf)  }
0x140: {  	vm2 =	vgt.f32 v33, $0.0e+00;
	v12 =	vadd.f32 $1.000000000e+00, v33;
	v13 =	vadd.f32 $1.000000000e+00, v15;
	v24 =	vpop (erf)  }
0x141: {  	s21 =	simm.s32 $0x0;
	s22 =	simm.s32 $0xC380;
	vm1 =	vgt.f32 v15, $0.0e+00;
	[tilespmem:s20+$0x70] =	vst v34;
	v15 =	vadd.f32 $1.000000000e+00, v9;
	v14 =	vadd.f32 $1.000000000e+00, v32;
	v25 =	vpop (erf)  }
.LBB2_8:
0x142: {  	v26 =	vld [tilespmem:s22+$0x70];
	s21 =	sadd.s32 $0x2, s21;
	v0 =	vsel vm0, v0, v16;
	v18 =	vsel vm13, v1, v18;
	vm0 =	vgt.f32 v9, $0.0e+00;
	v9 =	vpop (erf)  }
0x143: {  	v17 =	vsel vm12, v2, v17;
	v2 =	vsel vm10, v3, v19;
	v3 =	vsel vm11, v4, v20;
	v16 =	vld [tilespmem:s22+$0xFFFFFF90];
	p0 =	slt.u32 s21, $0x7E;
	[tilespmem:s20+$0xFFFFFF90] =	vst v0;
	v4 =	vpop (erf)  }
0x144: {  	v5 =	vsel vm8, v5, v21;
	v6 =	vsel vm6, v6, v22;
	v7 =	vsel vm9, v7, v23;
	v27 =	vld [tilespmem:s22+$0xFFFFFFA0];
	[tilespmem:s20+$0xFFFFFFA0] =	vst v18;
	v1 =	vpop (erf)  }
0x145: {  	v8 =	vsel vm5, v8, v24;
	v10 =	vsel vm4, v10, v25;
	v9 =	vsel vm7, v11, v9;
	v22 =	vld [tilespmem:s22+$0xFFFFFFB0];
	[tilespmem:s20+$0xFFFFFFB0] =	vst v17;
	v0 =	vpop (erf)  }
0x146: {  	v11 =	vsel vm3, v14, v4;
	v12 =	vsel vm2, v12, v1;
	v23 =	vld [tilespmem:s22+$0xFFFFFFC0];
	[tilespmem:s20+$0xFFFFFFC0] =	vst v2;
	v14 =	vsel vm0, v15, v0;
	v0 =	vpop (erf)  }
0x147: {  	v24 =	vld [tilespmem:s22+$0xFFFFFFD0];
	v2 =	vmul.f32 $1.442695020e+00, v26;
	v1 =	vsel vm1, v13, v0;
	[tilespmem:s20+$0xFFFFFFD0] =	vst v3  }
0x148: {  	vm0 =	vgt.f32 v16, $0.0e+00;
	v0 =	vadd.f32 $1.000000000e+00, v16;
	v3 =	vmul.f32 $1.442695020e+00, v16;
	v25 =	vld [tilespmem:s22+$0xFFFFFFE0];
	[tilespmem:s20+$0xFFFFFF80] =	vst v1  }
0x149: {  	v1 =	vadd.f32 $1.000000000e+00, v27;
	v4 =	vmul.f32 $1.442695020e+00, v27;
	v28 =	vld [tilespmem:s22+$0xFFFFFFF0];
	(erf) = vpow2.f32 v2;
	[tilespmem:s20+$0xFFFFFFE0] =	vst v5  }
0x14a: {  	v2 =	vadd.f32 $1.000000000e+00, v22;
	v5 =	vmul.f32 $1.442695020e+00, v22;
	v29 =	vld [tilespmem:s22+$0x0];
	(erf) = vpow2.f32 v3;
	[tilespmem:s20+$0xFFFFFFF0] =	vst v6  }
0x14b: {  	v3 =	vadd.f32 $1.000000000e+00, v23;
	v6 =	vmul.f32 $1.442695020e+00, v23;
	v30 =	vld [tilespmem:s22+$0x10];
	(erf) = vpow2.f32 v4;
	[tilespmem:s20+$0x0] =	vst v7  }
0x14c: {  	v4 =	vadd.f32 $1.000000000e+00, v24;
	v7 =	vmul.f32 $1.442695020e+00, v24;
	v31 =	vld [tilespmem:s22+$0x20];
	(erf) = vpow2.f32 v5;
	[tilespmem:s20+$0x10] =	vst v8  }
0x14d: {  	v5 =	vadd.f32 $1.000000000e+00, v25;
	v8 =	vmul.f32 $1.442695020e+00, v25;
	v32 =	vld [tilespmem:s22+$0x30];
	(erf) = vpow2.f32 v6;
	[tilespmem:s20+$0x20] =	vst v10  }
0x14e: {  	v6 =	vadd.f32 $1.000000000e+00, v28;
	v10 =	vmul.f32 $1.442695020e+00, v28;
	v33 =	vld [tilespmem:s22+$0x40];
	(erf) = vpow2.f32 v7;
	[tilespmem:s20+$0x30] =	vst v9  }
0x14f: {  	v7 =	vadd.f32 $1.000000000e+00, v29;
	v13 =	vmul.f32 $1.442695020e+00, v29;
	v34 =	vld [tilespmem:s22+$0x50];
	(erf) = vpow2.f32 v8;
	[tilespmem:s20+$0x40] =	vst v11  }
0x150: {  	v8 =	vadd.f32 $1.000000000e+00, v30;
	v17 =	vmul.f32 $1.442695020e+00, v30;
	v9 =	vld [tilespmem:s22+$0x60];
	(erf) = vpow2.f32 v10;
	[tilespmem:s20+$0x50] =	vst v12  }
0x151: {  	v12 =	vadd.f32 $1.000000000e+00, v26;
	v15 =	vld [tilespmem:s22+$0xFFFFFF80];
	v10 =	vmul.f32 $1.442695020e+00, v31;
	(erf) = vpow2.f32 v13;
	[tilespmem:s20+$0x60] =	vst v14;
	s20 =	smov.u32 s22  }
0x152: {  	vm1 =	vgt.f32 v26, $0.0e+00;
	v13 =	vmul.f32 $1.442695020e+00, v32;
	(erf) = vpow2.f32 v17;
	v11 =	vpop (erf)  }
0x153: {  	v14 =	vmul.f32 $1.442695020e+00, v33;
	v11 =	vsel vm1, v12, v11;
	v16 =	vpop (erf);
	(erf) = vpow2.f32 v10  }
0x154: {  	v10 =	vadd.f32 $1.000000000e+00, v31;
	v12 =	vmul.f32 $1.442695020e+00, v34;
	[tilespmem:s22+$0x70] =	vst v11;
	v18 =	vpop (erf);
	(erf) = vpow2.f32 v13  }
0x155: {  	v11 =	vadd.f32 $1.000000000e+00, v32;
	v35 =	vmul.f32 $1.442695020e+00, v9;
	v17 =	vpop (erf);
	(erf) = vpow2.f32 v14  }
0x156: {  	v13 =	vadd.f32 $1.000000000e+00, v15;
	v26 =	vmul.f32 $1.442695020e+00, v15;
	v19 =	vpop (erf);
	(erf) = vpow2.f32 v12  }
0x157: {  	v14 =	vadd.f32 $1.000000000e+00, v33;
	v12 =	vadd.f32 $1.000000000e+00, v34;
	v20 =	vpop (erf);
	(erf) = vpow2.f32 v35  }
.Ltmp3:
0x158: {  	vm1 =	vgt.f32 v15, $0.0e+00;
	v15 =	vadd.f32 $1.000000000e+00, v9;
	(erf) = vpow2.f32 v26;
	v21 =	vpop (erf);
	(pc) =	sbr.rel @p0 .LBB2_8-.Ltmp3, $4  }
0x159: {  	vm13 =	vgt.f32 v27, $0.0e+00;
	vm12 =	vgt.f32 v22, $0.0e+00;
	vm10 =	vgt.f32 v23, $0.0e+00;
	v22 =	vpop (erf)  }
0x15a: {  	vm11 =	vgt.f32 v24, $0.0e+00;
	vm8 =	vgt.f32 v25, $0.0e+00;
	vm6 =	vgt.f32 v28, $0.0e+00;
	v23 =	vpop (erf)  }
0x15b: {  	vm9 =	vgt.f32 v29, $0.0e+00;
	vm5 =	vgt.f32 v30, $0.0e+00;
	vm4 =	vgt.f32 v31, $0.0e+00;
	v24 =	vpop (erf)  }
0x15c: {  	vm7 =	vgt.f32 v32, $0.0e+00;
	vm3 =	vgt.f32 v33, $0.0e+00;
	vm2 =	vgt.f32 v34, $0.0e+00;
	s22 =	sadd.s32 $0x100, s22;
	v25 =	vpop (erf)  }
0x15d: {  	v0 =	vsel vm0, v0, v16  }
0x15e: {  	v1 =	vsel vm13, v1, v18;
	[tilespmem:s20+$0xFFFFFF90] =	vst v0  }
0x15f: {  	v2 =	vsel vm12, v2, v17;
	[tilespmem:s20+$0xFFFFFFA0] =	vst v1  }
0x160: {  	v3 =	vsel vm10, v3, v19;
	[tilespmem:s20+$0xFFFFFFB0] =	vst v2  }
0x161: {  	v4 =	vsel vm11, v4, v20;
	[tilespmem:s20+$0xFFFFFFC0] =	vst v3  }
0x162: {  	v57 =	vsel vm8, v5, v21;
	[tilespmem:s20+$0xFFFFFFD0] =	vst v4  }
0x163: {  	v58 =	vsel vm6, v6, v22;
	[tilespmem:s20+$0xFFFFFFE0] =	vst v57  }
0x164: {  	v59 =	vsel vm9, v7, v23;
	[tilespmem:s20+$0xFFFFFFF0] =	vst v58  }
0x165: {  	v60 =	vsel vm5, v8, v24;
	[tilespmem:s20+$0x0] =	vst v59  }
0x166: {  	v52 =	vpop (erf);
	v61 =	vsel vm4, v10, v25;
	[tilespmem:s20+$0x10] =	vst v60  }
0x167: {  	v53 =	vpop (erf);
	v62 =	vsel vm7, v11, v52;
	[tilespmem:s20+$0x20] =	vst v61  }
0x168: {  	v54 =	vpop (erf);
	v0 =	vsel vm3, v14, v53;
	[tilespmem:s20+$0x30] =	vst v62  }
0x169: {  	vm15 =	vgt.f32 v9, $0.0e+00;
	v55 =	vpop (erf);
	v1 =	vsel vm2, v12, v54;
	[tilespmem:s20+$0x40] =	vst v0  }
0x16a: {  	v56 =	vpop (erf);
	v63 =	vsel vm15, v15, v55;
	[tilespmem:s20+$0x50] =	vst v1  }
0x16b: {  	v3 =	vsel vm1, v13, v56;
	[tilespmem:s20+$0x60] =	vst v63  }
0x16c: {  	[tilespmem:s20+$0xFFFFFF80] =	vst v3  }
0x16d: {  	[hbm4b:s13+s25] =	stream.strided.scatter [tilespmem:s18], [sflag:$0x4], $0x4000, s26, s25, $0x38;
	[tilespmem:$0x18200] =	vst v63  }
0x16e: {  	_ =	swait.ge [sflag:s0], $0x4000  }
0x16f: {  	[sflag:s0] =	ssyncset.done $0x0  }
0x170: {  	[sflag:s0] =	ssyncadd.s32 $0xFFFFC000  }
0x171: {  	_ =	swait.ge [sflag:s0], $0x4000  }
0x172: {  	[sflag:s0] =	ssyncset.done $0x0  }
0x173: {  	[sflag:s0] =	ssyncadd.s32 $0xFFFFC000  }
0x174: {  	_ =	swait.ge [sflag:s3], $0x4000  }
0x175: {  	[sflag:s3] =	ssyncset.done $0x0  }
0x176: {  	[sflag:s3] =	ssyncadd.s32 $0xFFFFC000  }
0x177: {  	_ =	swait.ge [sflag:s3], $0x4000  }
0x178: {  	[sflag:s3] =	ssyncset.done $0x0  }
0x179: {  	s19 =	sadd.s32 $0x1, s19;
	[sflag:s3] =	ssyncadd.s32 $0xFFFFC000  }
0x17a: {  	p0 =	sne.s32 s19, s14;
	_ =	swait.ge [sflag:s28], $0x4000  }
.Ltmp4:
0x17b: {  	[sflag:s28] =	ssyncset.done $0x0;
	(pc) =	sbr.rel @p0 .LBB2_1-.Ltmp4, $4  }
0x17c: {  	[sflag:s28] =	ssyncadd.s32 $0xFFFFC000  }
0x17d: {  	_ =	swait.ge [sflag:s28], $0x4000  }
0x17e: {  	[sflag:s28] =	ssyncset.done $0x0  }
0x17f: {  	[sflag:s28] =	ssyncadd.s32 $0xFFFFC000  }
0x180: {  	_ =	sfence.sel $0x180000  }
0x181: {  	[bflag:$0x0] =	sbarrier.arrive $0xFFFF  }
0x182: {  	_ =	strace $0x90000047  }
0x183: {  	s0 =	stileid.u32;
	[bflag:$0x2] =	sbarrier.arrive $0xFFFF  }
0x184: {  	p0 =	sne.s32 s0, $0x0;
	s0 =	rddreg [dreg:$0x4]  }
0x185: {  	s0 =	sadd.s32 @!p0 $0x100000, s0  }
0x186: {  	[sflag:s0] =	ssyncadd.tile.s32 @!p0 $0x1;
	_ =	shalt  }
.Lfunc_end2:
_tile_overlayer_lowered:
.L_overlay_start_2:
0x187: {  	(tag) =	ssettag $0x2  }
0x188: {  	s0 =	rddreg [dreg:$0x0];
	s2 =	stileid.u32  }
0x189: {  	s1 =	rddreg [dreg:$0x1];
	p0 =	sne.s32 s2, $0x0  }
0x18a: {  	s3 =	rddreg [dreg:$0x2];
	[bflag:$0x3] =	sbarrier.arrive $0xFFFF;
	s2 =	simm.s32 @!p0 $0x1C07  }
0x18b: {  	[timem:s3], [sflag:s2] =	dma.local @!p0 [hbm:s0], s1  }
0x18c: {  	s0 =	simm.s32 @!p0 $0x7  }
0x18d: {  	_ =	swait.ge @!p0 [sflag:s0], s1  }
0x18e: {  	s1 =	ssub.s32 @!p0 $0x0, s1;
	[sflag:s0] =	ssyncset.done @!p0 $0x0  }
0x18f: {  	[sflag:s0] =	ssyncadd.s32 @!p0 s1  }
0x190: {  	[bflag:$0x3] =	sbarrier.arrive $0xFFFF  }
0x191: {  	_ =	shalt  }

</sc_bundles>
